<compile_context>
chip_gen: v7x
topology: tpu7x:2x2x1
jax: 0.10.2.dev20260603
libtpu: 0.0.44.dev20260713+nightly
codegen_flags: <defaults>
</compile_context>

<pallas_src>
import functools

import jax
import jax.numpy as jnp
from jax import lax
from jax.experimental import pallas as pl
from jax.experimental.pallas import tpu as pltpu
from jax.experimental.pallas import tpu_sc as plsc

B, T, H, P, N, K = 4, 2048, 2048, 512, 50000, 10

TBLK_A = 128
NBLK = 512
NSTEPS = (N + NBLK - 1) // NBLK
NPAD = NSTEPS * NBLK
HBLK = 128
TBLK_E = 256


def _mean_proj_body(x_ref, wq_ref, bq_ref, wk_ref, bk_ref,
                    query_ref, qh_ref, qbk_ref, acc_ref):
    i = pl.program_id(0)

    @pl.when(i == 0)
    def _():
        acc_ref[...] = jnp.zeros_like(acc_ref)

    acc_ref[...] += jnp.sum(x_ref[...], axis=1)

    @pl.when(i == pl.num_programs(0) - 1)
    def _():
        qm = acc_ref[...] * (1.0 / T)
        q = jnp.dot(qm, wq_ref[...],
                    preferred_element_type=jnp.float32) + bq_ref[...]
        query_ref[...] = qm
        qh_ref[...] = lax.dot_general(
            q, wk_ref[...], (((1,), (1,)), ((), ())),
            preferred_element_type=jnp.float32)
        qbk = jnp.sum(q * bk_ref[...], axis=1, keepdims=True)
        qbk_ref[...] = jnp.broadcast_to(qbk, (B, 128))


def _mean_proj(x, Wq, bq2, Wk, bk2):
    return pl.pallas_call(
        _mean_proj_body,
        grid=(T // TBLK_A,),
        in_specs=[
            pl.BlockSpec((B, TBLK_A, H), lambda i: (0, i, 0)),
            pl.BlockSpec((H, P), lambda i: (0, 0)),
            pl.BlockSpec((1, P), lambda i: (0, 0)),
            pl.BlockSpec((H, P), lambda i: (0, 0)),
            pl.BlockSpec((1, P), lambda i: (0, 0)),
        ],
        out_specs=[
            pl.BlockSpec((B, H), lambda i: (0, 0)),
            pl.BlockSpec((B, H), lambda i: (0, 0)),
            pl.BlockSpec((B, 128), lambda i: (0, 0)),
        ],
        out_shape=[
            jax.ShapeDtypeStruct((B, H), jnp.float32),
            jax.ShapeDtypeStruct((B, H), jnp.float32),
            jax.ShapeDtypeStruct((B, 128), jnp.float32),
        ],
        scratch_shapes=[pltpu.VMEM((B, H), jnp.float32)],
        compiler_params=pltpu.CompilerParams(
            dimension_semantics=("arbitrary",)),
    )(x, Wq, bq2, Wk, bk2)


def _scores_body(qh_ref, qbk_ref, conf_ref, keys_ref, out_ref):
    j = pl.program_id(0)
    s = lax.dot_general(qh_ref[...], keys_ref[...],
                        (((1,), (1,)), ((), ())),
                        preferred_element_type=jnp.float32)
    s = (s + qbk_ref[:, 0:1]) * conf_ref[...]
    col = j * NBLK + lax.broadcasted_iota(jnp.int32, (B, NBLK), 1)
    out_ref[...] = jnp.where(col < N, s, -jnp.inf)


def _scores(qh, qbk, conf2, keys):
    return pl.pallas_call(
        _scores_body,
        grid=(NSTEPS,),
        in_specs=[
            pl.BlockSpec((B, H), lambda j: (0, 0)),
            pl.BlockSpec((B, 128), lambda j: (0, 0)),
            pl.BlockSpec((1, NBLK), lambda j: (0, j)),
            pl.BlockSpec((NBLK, H), lambda j: (j, 0)),
        ],
        out_specs=pl.BlockSpec((B, NBLK), lambda j: (0, j)),
        out_shape=jax.ShapeDtypeStruct((B, NPAD), jnp.float32),
        compiler_params=pltpu.CompilerParams(
            dimension_semantics=("arbitrary",)),
    )(qh, qbk, conf2, keys)


def _topk_body(s_ref, idx_ref, scr_ref):
    scr_ref[...] = s_ref[...]
    col = lax.broadcasted_iota(jnp.int32, (B, NPAD), 1)
    lane = lax.broadcasted_iota(jnp.int32, (B, 128), 1)

    def step(k, out):
        s = scr_ref[...]
        m = jnp.max(s, axis=1, keepdims=True)
        cand = jnp.where(s >= m, col, NPAD)
        sel = jnp.min(cand, axis=1, keepdims=True)
        scr_ref[...] = jnp.where(col == sel, -jnp.inf, s)
        return jnp.where(lane == k, sel, out)

    idx_ref[...] = lax.fori_loop(
        0, K, step, jnp.zeros((B, 128), jnp.int32))


def _topk(scores):
    return pl.pallas_call(
        _topk_body,
        out_shape=jax.ShapeDtypeStruct((B, 128), jnp.int32),
        scratch_shapes=[pltpu.VMEM((B, NPAD), jnp.float32)],
    )(scores)


def _gather_rows(keys, idx):
    mesh = plsc.VectorSubcoreMesh(core_axis_name="c", subcore_axis_name="s")

    def body(keys_hbm, idx_hbm, out_hbm, idx_v, rows_v, sem):
        cid = lax.axis_index("c")
        sid = lax.axis_index("s")

        @pl.when((cid == 0) & (sid == 0))
        def _():
            pltpu.sync_copy(idx_hbm, idx_v)
            pltpu.async_copy(keys_hbm.at[idx_v], rows_v, sem).wait()
            pltpu.sync_copy(rows_v, out_hbm)

    return pl.kernel(
        body,
        mesh=mesh,
        out_type=jax.ShapeDtypeStruct((B * K, H), jnp.float32),
        scratch_types=[
            pltpu.VMEM((B * K,), jnp.int32),
            pltpu.VMEM((B * K, H), jnp.float32),
            pltpu.SemaphoreType.DMA,
        ],
    )(keys, idx)


def _mlp_body(query_ref, retr_ref, wg_ref, bg_ref, wm1_ref, bm1_ref,
              wm2_ref, bm2_ref, gate_ref, mem_ref, gi_ref, macc_ref):
    j = pl.program_id(0)

    @pl.when(j == 0)
    def _():
        gi_ref[:, :H] = query_ref[...]
        gi_ref[:, H:] = jnp.mean(retr_ref[...], axis=1)
        macc_ref[...] = jnp.zeros_like(macc_ref)

    gi = gi_ref[...]
    gate_ref[...] = jax.nn.sigmoid(
        jnp.dot(gi, wg_ref[...], preferred_element_type=jnp.float32)
        + bg_ref[...])
    pre = (jnp.dot(gi, wm1_ref[...], preferred_element_type=jnp.float32)
           + bm1_ref[...])
    h = pre * 0.5 * (1.0 + lax.erf(pre * (2.0 ** -0.5)))
    macc_ref[...] += jnp.dot(h, wm2_ref[...],
                             preferred_element_type=jnp.float32)

    @pl.when(j == pl.num_programs(0) - 1)
    def _():
        mem_ref[...] = macc_ref[...] + bm2_ref[...]


def _mlp(query, retr, Wg, bg2, Wm1, bm12, Wm2, bm22):
    return pl.pallas_call(
        _mlp_body,
        grid=(H // HBLK,),
        in_specs=[
            pl.BlockSpec((B, H), lambda j: (0, 0)),
            pl.BlockSpec((B, K, H), lambda j: (0, 0, 0)),
            pl.BlockSpec((2 * H, HBLK), lambda j: (0, j)),
            pl.BlockSpec((1, HBLK), lambda j: (0, j)),
            pl.BlockSpec((2 * H, HBLK), lambda j: (0, j)),
            pl.BlockSpec((1, HBLK), lambda j: (0, j)),
            pl.BlockSpec((HBLK, H), lambda j: (j, 0)),
            pl.BlockSpec((1, H), lambda j: (0, 0)),
        ],
        out_specs=[
            pl.BlockSpec((B, HBLK), lambda j: (0, j)),
            pl.BlockSpec((B, H), lambda j: (0, 0)),
        ],
        out_shape=[
            jax.ShapeDtypeStruct((B, H), jnp.float32),
            jax.ShapeDtypeStruct((B, H), jnp.float32),
        ],
        scratch_shapes=[
            pltpu.VMEM((B, 2 * H), jnp.float32),
            pltpu.VMEM((B, H), jnp.float32),
        ],
        compiler_params=pltpu.CompilerParams(
            dimension_semantics=("arbitrary",)),
    )(query, retr, Wg, bg2, Wm1, bm12, Wm2, bm22)


def _ln_body(x_ref, gate_ref, mem_ref, lnw_ref, lnb_ref, out_ref):
    b = pl.program_id(0)
    gm = gate_ref[pl.ds(b, 1), :] * mem_ref[pl.ds(b, 1), :]
    x2 = x_ref[0] + gm
    mu = jnp.mean(x2, axis=-1, keepdims=True)
    d = x2 - mu
    var = jnp.mean(d * d, axis=-1, keepdims=True)
    out_ref[0] = d * lax.rsqrt(var + 1e-5) * lnw_ref[...] + lnb_ref[...]


def _ln(x, gate, mem, lnw2, lnb2):
    return pl.pallas_call(
        _ln_body,
        grid=(B, T // TBLK_E),
        in_specs=[
            pl.BlockSpec((1, TBLK_E, H), lambda b, i: (b, i, 0)),
            pl.BlockSpec((B, H), lambda b, i: (0, 0)),
            pl.BlockSpec((B, H), lambda b, i: (0, 0)),
            pl.BlockSpec((1, H), lambda b, i: (0, 0)),
            pl.BlockSpec((1, H), lambda b, i: (0, 0)),
        ],
        out_specs=pl.BlockSpec((1, TBLK_E, H), lambda b, i: (b, i, 0)),
        out_shape=jax.ShapeDtypeStruct((B, T, H), jnp.float32),
        compiler_params=pltpu.CompilerParams(
            dimension_semantics=("parallel", "parallel")),
    )(x, gate, mem, lnw2, lnb2)


def kernel(x, keys, confidences, Wq, bq, Wk, bk, Wg, bg, Wm1, bm1,
           Wm2, bm2, ln_w, ln_b):
    conf2 = confidences.reshape(1, N)
    bq2 = bq.reshape(1, P)
    bk2 = bk.reshape(1, P)
    bg2 = bg.reshape(1, H)
    bm12 = bm1.reshape(1, H)
    bm22 = bm2.reshape(1, H)
    lnw2 = ln_w.reshape(1, H)
    lnb2 = ln_b.reshape(1, H)

    query, qh, qbk = _mean_proj(x, Wq, bq2, Wk, bk2)
    scores = _scores(qh, qbk, conf2, keys)
    idx128 = _topk(scores)
    idx = idx128[:, :K].reshape(B * K)
    retrieved = _gather_rows(keys, idx)
    gate, mem = _mlp(query, retrieved.reshape(B, K, H),
                     Wg, bg2, Wm1, bm12, Wm2, bm22)
    return _ln(x, gate, mem, lnw2, lnb2)

# --- scband reference (transcript-rebuilt; emitter-appended) ---
"""Pipeline reference for scband-pattern-store-43645457662503 (READ-ONLY COPY).

The authoritative reference and input builder live on the scoring server;
editing this copy changes nothing except your own understanding.
"""

import jax, jax.numpy as jnp
import numpy as np

B, T, H = 4, 2048, 2048
P = 512
N = 50000
K = 10


def setup_inputs(seed: int = 0) -> dict:
    key = jax.random.key(seed)
    ks = jax.random.split(key, 16)
    s = 0.02
    return {
        "x": jax.random.normal(ks[0], (B, T, H), dtype=jnp.float32),
        # pattern store state: N stored pattern vectors + their confidences
        "keys": jax.random.normal(ks[1], (N, H), dtype=jnp.float32),
        "confidences": jax.random.uniform(ks[2], (N,), dtype=jnp.float32, minval=0.3, maxval=1.0),
        # query_proj / key_proj (hidden_dim -> 512)
        "Wq": jax.random.normal(ks[3], (H, P), dtype=jnp.float32) * s,
        "bq": jnp.zeros((P,), dtype=jnp.float32),
        "Wk": jax.random.normal(ks[4], (H, P), dtype=jnp.float32) * s,
        "bk": jnp.zeros((P,), dtype=jnp.float32),
        # gate: Linear(2H -> H)
        "Wg": jax.random.normal(ks[5], (2 * H, H), dtype=jnp.float32) * s,
        "bg": jnp.zeros((H,), dtype=jnp.float32),
        # memory_integrator: Linear(2H -> H), GELU, Linear(H -> H)
        "Wm1": jax.random.normal(ks[6], (2 * H, H), dtype=jnp.float32) * s,
        "bm1": jnp.zeros((H,), dtype=jnp.float32),
        "Wm2": jax.random.normal(ks[7], (H, H), dtype=jnp.float32) * s,
        "bm2": jnp.zeros((H,), dtype=jnp.float32),
        # LayerNorm(H)
        "ln_w": jnp.ones((H,), dtype=jnp.float32),
        "ln_b": jnp.zeros((H,), dtype=jnp.float32),
    }


def reference(x, keys, confidences, Wq, bq, Wk, bk, Wg, bg, Wm1, bm1, Wm2, bm2, ln_w, ln_b):
    # query = x.mean(dim=1)
    query = x.mean(axis=1)                      # (B, H)
    # retrieve: project query and all stored keys
    q = query @ Wq + bq                         # (B, P)
    k_proj = keys @ Wk + bk                     # (N, P)
    scores = q @ k_proj.T                       # (B, N)
    scores = scores * confidences[None, :]      # confidence weighting
    top_scores, top_idx = jax.lax.top_k(scores, K)
    retrieved = keys[top_idx]                   # (B, K, H) gather
    # integrate retrieved memories
    mem_summary = retrieved.mean(axis=1)        # (B, H)
    gate_input = jnp.concatenate([query, mem_summary], axis=-1)  # (B, 2H)
    gate = jax.nn.sigmoid(gate_input @ Wg + bg)[:, None, :]      # (B, 1, H)
    h = jax.nn.gelu(gate_input @ Wm1 + bm1, approximate=False)
    mem_integrated = (h @ Wm2 + bm2)[:, None, :]                 # (B, 1, H)
    x2 = x + gate * mem_integrated
    # LayerNorm over last dim (eps=1e-5, torch default)
    mu = x2.mean(axis=-1, keepdims=True)
    var = ((x2 - mu) ** 2).mean(axis=-1, keepdims=True)
    out = (x2 - mu) / jnp.sqrt(var + 1e-5) * ln_w + ln_b
    return out

if __name__ == "__main__":
    import jax
    _d = setup_inputs()
    print(jax.jit(kernel)(*tuple(_d.values())))

</pallas_src>

<mosaic_0001>
#map = affine_map<(d0, d1) -> (0, 0)>
#map1 = affine_map<(d0, d1) -> (0)>
module attributes {stable_mosaic.version = 14 : i64} {
  func.func @body(%arg0: i32, %arg1: i32, %arg2: memref<50000x2048xf32, #tpu.memory_space<hbm>>, %arg3: memref<40xi32, #tpu.memory_space<hbm>>, %arg4: memref<40x2048xf32, #tpu.memory_space<hbm>>, %arg5: memref<40xi32, #tpu.memory_space<vmem>>, %arg6: memref<40x2048xf32, #tpu.memory_space<vmem>>, %arg7: memref<!tpu.dma_semaphore, #tpu.memory_space<semaphore_mem>>) attributes {dimension_semantics = [#tpu.dimension_semantics<core_parallel>, #tpu.dimension_semantics<subcore_parallel>], iteration_bounds = array<i64: 2, 16>, scalar_prefetch = 0 : i64, scratch_operands = 3 : i64, tpu.core_type = #tpu.core_type<sc_vector_subcore>, window_params = [{transform_indices = #map}, {transform_indices = #map1}, {transform_indices = #map}]} {
    %eq3A = arith.constant 0 : i32
    %eq3A_0 = arith.cmpi eq, %arg0, %eq3A : i32
    %eq3A_1 = arith.constant 0 : i32
    %eq3A_2 = arith.cmpi eq, %arg1, %eq3A_1 : i32
    %and3A = arith.andi %eq3A_0, %eq3A_2 : i1
    %convert_element_type3A = arith.extui %and3A : i1 to i32
    %cond3A = arith.constant 0 : i32
    %cond3A_3 = arith.cmpi ne, %convert_element_type3A, %cond3A : i32
    scf.if %cond3A_3 {
      "tpu.region"() ({
        %run_scoped3A = tpu.sem_alloc : memref<!tpu.dma_semaphore, #tpu.memory_space<semaphore_mem>>
        tpu.enqueue_dma source(%arg3 : memref<40xi32, #tpu.memory_space<hbm>>) target(%arg5 : memref<40xi32, #tpu.memory_space<vmem>>) target_semaphore(%run_scoped3A : memref<!tpu.dma_semaphore, #tpu.memory_space<semaphore_mem>>)
        tpu.wait_dma2 semaphore(%run_scoped3A : memref<!tpu.dma_semaphore, #tpu.memory_space<semaphore_mem>>) src(%arg3 : memref<40xi32, #tpu.memory_space<hbm>>) dst(%arg5 : memref<40xi32, #tpu.memory_space<vmem>>)
        tpu.yield
      }) : () -> ()
      %dma_start3A = arith.constant 0 : i32
      %dma_start3A_4 = arith.constant 0 : i32
      %dma_start3A_5 = tpu.memref_slice %arg2[%dma_start3A, %dma_start3A_4] : memref<50000x2048xf32, #tpu.memory_space<hbm>> -> memref<50000x2048xf32, #tpu.memory_space<hbm>>
      tpu.enqueue_indirect_dma source(%dma_start3A_5 : memref<50000x2048xf32, #tpu.memory_space<hbm>>) target(%arg6 : memref<40x2048xf32, #tpu.memory_space<vmem>>) offsets(%arg5 : memref<40xi32, #tpu.memory_space<vmem>>) semaphore(%arg7 : memref<!tpu.dma_semaphore, #tpu.memory_space<semaphore_mem>>)
      %dma_wait3A = arith.constant 0 : i32
      %dma_wait3A_6 = arith.constant 0 : i32
      %dma_wait3A_7 = tpu.memref_slice %arg2[%dma_wait3A, %dma_wait3A_6] : memref<50000x2048xf32, #tpu.memory_space<hbm>> -> memref<50000x2048xf32, #tpu.memory_space<hbm>>
      tpu.wait_indirect_dma semaphore(%arg7 : memref<!tpu.dma_semaphore, #tpu.memory_space<semaphore_mem>>) src(%dma_wait3A_7 : memref<50000x2048xf32, #tpu.memory_space<hbm>>) dst(%arg6 : memref<40x2048xf32, #tpu.memory_space<vmem>>)
      "tpu.region"() ({
        %run_scoped3A = tpu.sem_alloc : memref<!tpu.dma_semaphore, #tpu.memory_space<semaphore_mem>>
        tpu.enqueue_dma source(%arg6 : memref<40x2048xf32, #tpu.memory_space<vmem>>) target(%arg4 : memref<40x2048xf32, #tpu.memory_space<hbm>>) target_semaphore(%run_scoped3A : memref<!tpu.dma_semaphore, #tpu.memory_space<semaphore_mem>>)
        tpu.wait_dma2 semaphore(%run_scoped3A : memref<!tpu.dma_semaphore, #tpu.memory_space<semaphore_mem>>) src(%arg6 : memref<40x2048xf32, #tpu.memory_space<vmem>>) dst(%arg4 : memref<40x2048xf32, #tpu.memory_space<hbm>>)
        tpu.yield
      }) : () -> ()
    } else {
    }
    return
  }
}

module attributes {stable_mosaic.version = 14 : i64} {
  func.func @_topk_body(%arg0: memref<4x50176xf32, #tpu.memory_space<vmem>>, %arg1: memref<4x128xi32, #tpu.memory_space<vmem>>, %arg2: memref<4x50176xf32, #tpu.memory_space<vmem>>) attributes {dimension_semantics = [], scalar_prefetch = 0 : i64, scratch_operands = 1 : i64, tpu.core_type = #tpu.core_type<tc>} {
    %get3A = arith.constant 0 : index
    %get3A_0 = arith.constant 0 : index
    %get3A_1 = vector.load %arg0[%get3A, %get3A_0] : memref<4x50176xf32, #tpu.memory_space<vmem>>, vector<4x50176xf32>
    %swap3A = arith.constant 0 : index
    %swap3A_2 = arith.constant 0 : index
    %swap3A_3 = vector.load %arg2[%swap3A, %swap3A_2] : memref<4x50176xf32, #tpu.memory_space<vmem>>, vector<4x50176xf32>
    tpu.vector_store %arg2[%swap3A, %swap3A_2], %get3A_1 {strides = array<i32>} : memref<4x50176xf32, #tpu.memory_space<vmem>>, vector<4x50176xf32>,
    %iota3A = tpu.iota {dimensions = array<i32: 1>} : vector<4x50176xi32>
    %iota3A_4 = tpu.iota {dimensions = array<i32: 1>} : vector<4x128xi32>
    %broadcast_in_dim3A = arith.constant 0 : i32
    %broadcast_in_dim3A_5 = vector.broadcast %broadcast_in_dim3A : i32 to vector<4x128xi32>
    %scan3A = arith.constant 0 : i32
    %scan3A_6 = arith.constant 10 : i32
    %scan3A_7 = arith.addi %scan3A, %scan3A_6 : i32
    %scan3A_8 = arith.constant 1 : i32
    %scan3A_9 = scf.for %scan3A_14 = %scan3A to %scan3A_7 step %scan3A_8 iter_args(%scan3A_15 = %broadcast_in_dim3A_5) -> (vector<4x128xi32>)  : i32 {
      %get3A_16 = arith.constant 0 : index
      %get3A_17 = arith.constant 0 : index
      %get3A_18 = vector.load %arg2[%get3A_16, %get3A_17] : memref<4x50176xf32, #tpu.memory_space<vmem>>, vector<4x50176xf32>
      %reduce_max3A = arith.constant dense<0xFF800000> : vector<4xf32>
      %reduce_max3A_19 = vector.multi_reduction <maximumf>, %get3A_18, %reduce_max3A [1] : vector<4x50176xf32> to vector<4xf32>
      %broadcast_in_dim3A_20 = vector.shape_cast %reduce_max3A_19 : vector<4xf32> to vector<4x1xf32>
      %ge3A = vector.broadcast %broadcast_in_dim3A_20 : vector<4x1xf32> to vector<4x50176xf32>
      %ge3A_21 = arith.cmpf oge, %get3A_18, %ge3A : vector<4x50176xf32>
      %jit3A = arith.constant 50176 : i32
      %broadcast_in_dim3A_22 = vector.broadcast %jit3A : i32 to vector<4x50176xi32>
      %select_n3A = arith.select %ge3A_21, %iota3A, %broadcast_in_dim3A_22 : vector<4x50176xi1>, vector<4x50176xi32>
      %reduce_min3A = arith.constant dense<2147483647> : vector<4xi32>
      %reduce_min3A_23 = vector.multi_reduction <minsi>, %select_n3A, %reduce_min3A [1] : vector<4x50176xi32> to vector<4xi32>
      %broadcast_in_dim3A_24 = vector.shape_cast %reduce_min3A_23 : vector<4xi32> to vector<4x1xi32>
      %eq3A = vector.broadcast %broadcast_in_dim3A_24 : vector<4x1xi32> to vector<4x50176xi32>
      %eq3A_25 = arith.cmpi eq, %iota3A, %eq3A : vector<4x50176xi32>
      %jit3A_26 = arith.constant 0xFF800000 : f32
      %broadcast_in_dim3A_27 = vector.broadcast %jit3A_26 : f32 to vector<4x50176xf32>
      %select_n3A_28 = arith.select %eq3A_25, %broadcast_in_dim3A_27, %get3A_18 : vector<4x50176xi1>, vector<4x50176xf32>
      %swap3A_29 = arith.constant 0 : index
      %swap3A_30 = arith.constant 0 : index
      %swap3A_31 = vector.load %arg2[%swap3A_29, %swap3A_30] : memref<4x50176xf32, #tpu.memory_space<vmem>>, vector<4x50176xf32>
      tpu.vector_store %arg2[%swap3A_29, %swap3A_30], %select_n3A_28 {strides = array<i32>} : memref<4x50176xf32, #tpu.memory_space<vmem>>, vector<4x50176xf32>,
      %eq3A_32 = vector.broadcast %scan3A_14 : i32 to vector<4x128xi32>
      %eq3A_33 = arith.cmpi eq, %iota3A_4, %eq3A_32 : vector<4x128xi32>
      %broadcast_in_dim3A_34 = vector.shape_cast %broadcast_in_dim3A_24 : vector<4x1xi32> to vector<4x1xi32>
      %broadcast_in_dim3A_35 = vector.broadcast %broadcast_in_dim3A_34 : vector<4x1xi32> to vector<4x128xi32>
      %select_n3A_36 = arith.select %eq3A_33, %broadcast_in_dim3A_35, %scan3A_15 : vector<4x128xi1>, vector<4x128xi32>
      scf.yield %select_n3A_36 : vector<4x128xi32>
    }
    %scan3A_10 = arith.constant 10 : i32
    %swap3A_11 = arith.constant 0 : index
    %swap3A_12 = arith.constant 0 : index
    %swap3A_13 = vector.load %arg1[%swap3A_11, %swap3A_12] : memref<4x128xi32, #tpu.memory_space<vmem>>, vector<4x128xi32>
    tpu.vector_store %arg1[%swap3A_11, %swap3A_12], %scan3A_9 {strides = array<i32>} : memref<4x128xi32, #tpu.memory_space<vmem>>, vector<4x128xi32>,
    return
  }
}

module attributes {stable_mosaic.version = 14 : i64} {
  func.func @_scores_body(%arg0: i32, %arg1: memref<4x2048xf32, #tpu.memory_space<vmem>>, %arg2: memref<4x128xf32, #tpu.memory_space<vmem>>, %arg3: memref<1x512xf32, #tpu.memory_space<vmem>>, %arg4: memref<512x2048xf32, #tpu.memory_space<vmem>>, %arg5: memref<4x512xf32, #tpu.memory_space<vmem>>) attributes {dimension_semantics = [#tpu.dimension_semantics<arbitrary>], iteration_bounds = array<i64: 98>, scalar_prefetch = 0 : i64, scratch_operands = 0 : i64, tpu.core_type = #tpu.core_type<tc>, window_params = [{pipeline_mode = #tpu.pipeline_mode<synchronous>, transform_indices = @transform_0, window_bounds = array<i64: 4, 2048>}, {pipeline_mode = #tpu.pipeline_mode<synchronous>, transform_indices = @transform_1, window_bounds = array<i64: 4, 128>}, {transform_indices = @transform_2, window_bounds = array<i64: 1, 512>}, {transform_indices = @transform_3, window_bounds = array<i64: 512, 2048>}, {transform_indices = @transform_4, window_bounds = array<i64: 4, 512>}]} {
    %get3A = arith.constant 0 : index
    %get3A_0 = arith.constant 0 : index
    %get3A_1 = vector.load %arg1[%get3A, %get3A_0] : memref<4x2048xf32, #tpu.memory_space<vmem>>, vector<4x2048xf32>
    %get3A_2 = arith.constant 0 : index
    %get3A_3 = arith.constant 0 : index
    %get3A_4 = vector.load %arg4[%get3A_2, %get3A_3] : memref<512x2048xf32, #tpu.memory_space<vmem>>, vector<512x2048xf32>
    %dot_general3A = arith.constant dense<0.000000e+00> : vector<4x512xf32>
    %dot_general3A_5 = tpu.matmul %get3A_1, %get3A_4, %dot_general3A {dimension_numbers = #tpu.dot_dimension_numbers<[1], [1], [0], [0], [0, 0, 1, 0], [], []>, transpose_lhs_hint = false} : vector<4x2048xf32>, vector<512x2048xf32>, vector<4x512xf32> -> vector<4x512xf32>
    %get3A_6 = arith.constant 0 : index
    %get3A_7 = arith.constant 0 : index
    %get3A_8 = vector.load %arg2[%get3A_6, %get3A_7] : memref<4x128xf32, #tpu.memory_space<vmem>>, vector<4x1xf32>
    %add3A = vector.broadcast %get3A_8 : vector<4x1xf32> to vector<4x512xf32>
    %add3A_9 = arith.addf %dot_general3A_5, %add3A : vector<4x512xf32>
    %get3A_10 = arith.constant 0 : index
    %get3A_11 = arith.constant 0 : index
    %get3A_12 = vector.load %arg3[%get3A_10, %get3A_11] : memref<1x512xf32, #tpu.memory_space<vmem>>, vector<1x512xf32>
    %mul3A = vector.broadcast %get3A_12 : vector<1x512xf32> to vector<4x512xf32>
    %mul3A_13 = arith.mulf %add3A_9, %mul3A : vector<4x512xf32>
    %mul3A_14 = arith.constant 512 : i32
    %mul3A_15 = arith.muli %arg0, %mul3A_14 : i32
    %iota3A = tpu.iota {dimensions = array<i32: 1>} : vector<4x512xi32>
    %add3A_16 = vector.broadcast %mul3A_15 : i32 to vector<4x512xi32>
    %add3A_17 = arith.addi %add3A_16, %iota3A : vector<4x512xi32>
    %lt3A = arith.constant 50000 : i32
    %lt3A_18 = vector.broadcast %lt3A : i32 to vector<4x512xi32>
    %lt3A_19 = arith.cmpi slt, %add3A_17, %lt3A_18 : vector<4x512xi32>
    %jit3A = arith.constant 0xFF800000 : f32
    %broadcast_in_dim3A = vector.broadcast %jit3A : f32 to vector<4x512xf32>
    %select_n3A = arith.select %lt3A_19, %mul3A_13, %broadcast_in_dim3A : vector<4x512xi1>, vector<4x512xf32>
    %swap3A = arith.constant 0 : index
    %swap3A_20 = arith.constant 0 : index
    %swap3A_21 = vector.load %arg5[%swap3A, %swap3A_20] : memref<4x512xf32, #tpu.memory_space<vmem>>, vector<4x512xf32>
    tpu.vector_store %arg5[%swap3A, %swap3A_20], %select_n3A {strides = array<i32>} : memref<4x512xf32, #tpu.memory_space<vmem>>, vector<4x512xf32>,
    return
  }
  func.func @transform_0(%arg0: i32) -> (i32, i32) {
    %c0_i32 = arith.constant 0 : i32
    %c0_i32_0 = arith.constant 0 : i32
    %c0_i32_1 = arith.constant 0 : i32
    return %c0_i32, %c0_i32_0 : i32, i32
  }
  func.func @transform_1(%arg0: i32) -> (i32, i32) {
    %c0_i32 = arith.constant 0 : i32
    %c0_i32_0 = arith.constant 0 : i32
    %c0_i32_1 = arith.constant 0 : i32
    return %c0_i32, %c0_i32_0 : i32, i32
  }
  func.func @transform_2(%arg0: i32) -> (i32, i32) {
    %c0_i32 = arith.constant 0 : i32
    %c0_i32_0 = arith.constant 0 : i32
    return %c0_i32, %arg0 : i32, i32
  }
  func.func @transform_3(%arg0: i32) -> (i32, i32) {
    %c0_i32 = arith.constant 0 : i32
    %c0_i32_0 = arith.constant 0 : i32
    return %arg0, %c0_i32 : i32, i32
  }
  func.func @transform_4(%arg0: i32) -> (i32, i32) {
    %c0_i32 = arith.constant 0 : i32
    %c0_i32_0 = arith.constant 0 : i32
    return %c0_i32, %arg0 : i32, i32
  }
}

module attributes {stable_mosaic.version = 14 : i64} {
  func.func @_mean_proj_body(%arg0: i32, %arg1: memref<4x128x2048xf32, #tpu.memory_space<vmem>>, %arg2: memref<2048x512xf32, #tpu.memory_space<vmem>>, %arg3: memref<1x512xf32, #tpu.memory_space<vmem>>, %arg4: memref<2048x512xf32, #tpu.memory_space<vmem>>, %arg5: memref<1x512xf32, #tpu.memory_space<vmem>>, %arg6: memref<4x2048xf32, #tpu.memory_space<vmem>>, %arg7: memref<4x2048xf32, #tpu.memory_space<vmem>>, %arg8: memref<4x128xf32, #tpu.memory_space<vmem>>, %arg9: memref<4x2048xf32, #tpu.memory_space<vmem>>) attributes {dimension_semantics = [#tpu.dimension_semantics<arbitrary>], iteration_bounds = array<i64: 16>, scalar_prefetch = 0 : i64, scratch_operands = 1 : i64, tpu.core_type = #tpu.core_type<tc>, window_params = [{transform_indices = @transform_0, window_bounds = array<i64: 4, 128, 2048>}, {pipeline_mode = #tpu.pipeline_mode<synchronous>, transform_indices = @transform_1, window_bounds = array<i64: 2048, 512>}, {pipeline_mode = #tpu.pipeline_mode<synchronous>, transform_indices = @transform_2, window_bounds = array<i64: 1, 512>}, {pipeline_mode = #tpu.pipeline_mode<synchronous>, transform_indices = @transform_3, window_bounds = array<i64: 2048, 512>}, {pipeline_mode = #tpu.pipeline_mode<synchronous>, transform_indices = @transform_4, window_bounds = array<i64: 1, 512>}, {pipeline_mode = #tpu.pipeline_mode<synchronous>, transform_indices = @transform_5, window_bounds = array<i64: 4, 2048>}, {pipeline_mode = #tpu.pipeline_mode<synchronous>, transform_indices = @transform_6, window_bounds = array<i64: 4, 2048>}, {pipeline_mode = #tpu.pipeline_mode<synchronous>, transform_indices = @transform_7, window_bounds = array<i64: 4, 128>}]} {
    %eq3A = arith.constant 0 : i32
    %eq3A_0 = arith.cmpi eq, %arg0, %eq3A : i32
    %convert_element_type3A = arith.extui %eq3A_0 : i1 to i32
    %cond3A = arith.constant 0 : i32
    %cond3A_1 = arith.cmpi ne, %convert_element_type3A, %cond3A : i32
    scf.if %cond3A_1 {
      %broadcast_in_dim3A = arith.constant 0.000000e+00 : f32
      %broadcast_in_dim3A_16 = vector.broadcast %broadcast_in_dim3A : f32 to vector<4x2048xf32>
      %swap3A_17 = arith.constant 0 : index
      %swap3A_18 = arith.constant 0 : index
      %swap3A_19 = vector.load %arg9[%swap3A_17, %swap3A_18] : memref<4x2048xf32, #tpu.memory_space<vmem>>, vector<4x2048xf32>
      tpu.vector_store %arg9[%swap3A_17, %swap3A_18], %broadcast_in_dim3A_16 {strides = array<i32>} : memref<4x2048xf32, #tpu.memory_space<vmem>>, vector<4x2048xf32>,
    } else {
    }
    %get3A = arith.constant 0 : index
    %get3A_2 = arith.constant 0 : index
    %get3A_3 = vector.load %arg9[%get3A, %get3A_2] : memref<4x2048xf32, #tpu.memory_space<vmem>>, vector<4x2048xf32>
    %get3A_4 = arith.constant 0 : index
    %get3A_5 = arith.constant 0 : index
    %get3A_6 = arith.constant 0 : index
    %get3A_7 = vector.load %arg1[%get3A_4, %get3A_5, %get3A_6] : memref<4x128x2048xf32, #tpu.memory_space<vmem>>, vector<4x128x2048xf32>
    %reduce_sum3A = arith.constant dense<0.000000e+00> : vector<4x2048xf32>
    %reduce_sum3A_8 = vector.multi_reduction <add>, %get3A_7, %reduce_sum3A [1] : vector<4x128x2048xf32> to vector<4x2048xf32>
    %add3A = arith.addf %get3A_3, %reduce_sum3A_8 : vector<4x2048xf32>
    %swap3A = arith.constant 0 : index
    %swap3A_9 = arith.constant 0 : index
    %swap3A_10 = vector.load %arg9[%swap3A, %swap3A_9] : memref<4x2048xf32, #tpu.memory_space<vmem>>, vector<4x2048xf32>
    tpu.vector_store %arg9[%swap3A, %swap3A_9], %add3A {strides = array<i32>} : memref<4x2048xf32, #tpu.memory_space<vmem>>, vector<4x2048xf32>,
    %eq3A_11 = arith.constant 15 : i32
    %eq3A_12 = arith.cmpi eq, %arg0, %eq3A_11 : i32
    %convert_element_type3A_13 = arith.extui %eq3A_12 : i1 to i32
    %cond3A_14 = arith.constant 0 : i32
    %cond3A_15 = arith.cmpi ne, %convert_element_type3A_13, %cond3A_14 : i32
    scf.if %cond3A_15 {
      %get3A_16 = arith.constant 0 : index
      %get3A_17 = arith.constant 0 : index
      %get3A_18 = vector.load %arg9[%get3A_16, %get3A_17] : memref<4x2048xf32, #tpu.memory_space<vmem>>, vector<4x2048xf32>
      %mul3A = arith.constant 4.8828125E-4 : f32
      %mul3A_19 = vector.broadcast %mul3A : f32 to vector<4x2048xf32>
      %mul3A_20 = arith.mulf %get3A_18, %mul3A_19 : vector<4x2048xf32>
      %get3A_21 = arith.constant 0 : index
      %get3A_22 = arith.constant 0 : index
      %get3A_23 = vector.load %arg2[%get3A_21, %get3A_22] : memref<2048x512xf32, #tpu.memory_space<vmem>>, vector<2048x512xf32>
      %dot_general3A = arith.constant dense<0.000000e+00> : vector<4x512xf32>
      %dot_general3A_24 = tpu.matmul %mul3A_20, %get3A_23, %dot_general3A {dimension_numbers = #tpu.dot_dimension_numbers<[1], [0], [0], [1], [0, 0, 1, 1], [], []>, transpose_lhs_hint = false} : vector<4x2048xf32>, vector<2048x512xf32>, vector<4x512xf32> -> vector<4x512xf32>
      %get3A_25 = arith.constant 0 : index
      %get3A_26 = arith.constant 0 : index
      %get3A_27 = vector.load %arg3[%get3A_25, %get3A_26] : memref<1x512xf32, #tpu.memory_space<vmem>>, vector<1x512xf32>
      %add3A_28 = vector.broadcast %get3A_27 : vector<1x512xf32> to vector<4x512xf32>
      %add3A_29 = arith.addf %dot_general3A_24, %add3A_28 : vector<4x512xf32>
      %swap3A_30 = arith.constant 0 : index
      %swap3A_31 = arith.constant 0 : index
      %swap3A_32 = vector.load %arg6[%swap3A_30, %swap3A_31] : memref<4x2048xf32, #tpu.memory_space<vmem>>, vector<4x2048xf32>
      tpu.vector_store %arg6[%swap3A_30, %swap3A_31], %mul3A_20 {strides = array<i32>} : memref<4x2048xf32, #tpu.memory_space<vmem>>, vector<4x2048xf32>,
      %get3A_33 = arith.constant 0 : index
      %get3A_34 = arith.constant 0 : index
      %get3A_35 = vector.load %arg4[%get3A_33, %get3A_34] : memref<2048x512xf32, #tpu.memory_space<vmem>>, vector<2048x512xf32>
      %dot_general3A_36 = arith.constant dense<0.000000e+00> : vector<4x2048xf32>
      %dot_general3A_37 = tpu.matmul %add3A_29, %get3A_35, %dot_general3A_36 {dimension_numbers = #tpu.dot_dimension_numbers<[1], [1], [0], [0], [0, 0, 1, 0], [], []>, transpose_lhs_hint = false} : vector<4x512xf32>, vector<2048x512xf32>, vector<4x2048xf32> -> vector<4x2048xf32>
      %swap3A_38 = arith.constant 0 : index
      %swap3A_39 = arith.constant 0 : index
      %swap3A_40 = vector.load %arg7[%swap3A_38, %swap3A_39] : memref<4x2048xf32, #tpu.memory_space<vmem>>, vector<4x2048xf32>
      tpu.vector_store %arg7[%swap3A_38, %swap3A_39], %dot_general3A_37 {strides = array<i32>} : memref<4x2048xf32, #tpu.memory_space<vmem>>, vector<4x2048xf32>,
      %get3A_41 = arith.constant 0 : index
      %get3A_42 = arith.constant 0 : index
      %get3A_43 = vector.load %arg5[%get3A_41, %get3A_42] : memref<1x512xf32, #tpu.memory_space<vmem>>, vector<1x512xf32>
      %mul3A_44 = vector.broadcast %get3A_43 : vector<1x512xf32> to vector<4x512xf32>
      %mul3A_45 = arith.mulf %add3A_29, %mul3A_44 : vector<4x512xf32>
      %reduce_sum3A_46 = arith.constant dense<0.000000e+00> : vector<4xf32>
      %reduce_sum3A_47 = vector.multi_reduction <add>, %mul3A_45, %reduce_sum3A_46 [1] : vector<4x512xf32> to vector<4xf32>
      %broadcast_in_dim3A = vector.shape_cast %reduce_sum3A_47 : vector<4xf32> to vector<4x1xf32>
      %broadcast_in_dim3A_48 = vector.shape_cast %broadcast_in_dim3A : vector<4x1xf32> to vector<4x1xf32>
      %broadcast_in_dim3A_49 = vector.broadcast %broadcast_in_dim3A_48 : vector<4x1xf32> to vector<4x128xf32>
      %swap3A_50 = arith.constant 0 : index
      %swap3A_51 = arith.constant 0 : index
      %swap3A_52 = vector.load %arg8[%swap3A_50, %swap3A_51] : memref<4x128xf32, #tpu.memory_space<vmem>>, vector<4x128xf32>
      tpu.vector_store %arg8[%swap3A_50, %swap3A_51], %broadcast_in_dim3A_49 {strides = array<i32>} : memref<4x128xf32, #tpu.memory_space<vmem>>, vector<4x128xf32>,
    } else {
    }
    return
  }
  func.func @transform_0(%arg0: i32) -> (i32, i32, i32) {
    %c0_i32 = arith.constant 0 : i32
    %c0_i32_0 = arith.constant 0 : i32
    %c0_i32_1 = arith.constant 0 : i32
    return %c0_i32, %arg0, %c0_i32_0 : i32, i32, i32
  }
  func.func @transform_1(%arg0: i32) -> (i32, i32) {
    %c0_i32 = arith.constant 0 : i32
    %c0_i32_0 = arith.constant 0 : i32
    %c0_i32_1 = arith.constant 0 : i32
    return %c0_i32, %c0_i32_0 : i32, i32
  }
  func.func @transform_2(%arg0: i32) -> (i32, i32) {
    %c0_i32 = arith.constant 0 : i32
    %c0_i32_0 = arith.constant 0 : i32
    %c0_i32_1 = arith.constant 0 : i32
    return %c0_i32, %c0_i32_0 : i32, i32
  }
  func.func @transform_3(%arg0: i32) -> (i32, i32) {
    %c0_i32 = arith.constant 0 : i32
    %c0_i32_0 = arith.constant 0 : i32
    %c0_i32_1 = arith.constant 0 : i32
    return %c0_i32, %c0_i32_0 : i32, i32
  }
  func.func @transform_4(%arg0: i32) -> (i32, i32) {
    %c0_i32 = arith.constant 0 : i32
    %c0_i32_0 = arith.constant 0 : i32
    %c0_i32_1 = arith.constant 0 : i32
    return %c0_i32, %c0_i32_0 : i32, i32
  }
  func.func @transform_5(%arg0: i32) -> (i32, i32) {
    %c0_i32 = arith.constant 0 : i32
    %c0_i32_0 = arith.constant 0 : i32
    %c0_i32_1 = arith.constant 0 : i32
    return %c0_i32, %c0_i32_0 : i32, i32
  }
  func.func @transform_6(%arg0: i32) -> (i32, i32) {
    %c0_i32 = arith.constant 0 : i32
    %c0_i32_0 = arith.constant 0 : i32
    %c0_i32_1 = arith.constant 0 : i32
    return %c0_i32, %c0_i32_0 : i32, i32
  }
  func.func @transform_7(%arg0: i32) -> (i32, i32) {
    %c0_i32 = arith.constant 0 : i32
    %c0_i32_0 = arith.constant 0 : i32
    %c0_i32_1 = arith.constant 0 : i32
    return %c0_i32, %c0_i32_0 : i32, i32
  }
}

module attributes {stable_mosaic.version = 14 : i64} {
  func.func @_mlp_body(%arg0: i32, %arg1: memref<4x2048xf32, #tpu.memory_space<vmem>>, %arg2: memref<4x10x2048xf32, #tpu.memory_space<vmem>>, %arg3: memref<4096x128xf32, #tpu.memory_space<vmem>>, %arg4: memref<1x128xf32, #tpu.memory_space<vmem>>, %arg5: memref<4096x128xf32, #tpu.memory_space<vmem>>, %arg6: memref<1x128xf32, #tpu.memory_space<vmem>>, %arg7: memref<128x2048xf32, #tpu.memory_space<vmem>>, %arg8: memref<1x2048xf32, #tpu.memory_space<vmem>>, %arg9: memref<4x128xf32, #tpu.memory_space<vmem>>, %arg10: memref<4x2048xf32, #tpu.memory_space<vmem>>, %arg11: memref<4x4096xf32, #tpu.memory_space<vmem>>, %arg12: memref<4x2048xf32, #tpu.memory_space<vmem>>) attributes {dimension_semantics = [#tpu.dimension_semantics<arbitrary>], iteration_bounds = array<i64: 16>, scalar_prefetch = 0 : i64, scratch_operands = 2 : i64, tpu.core_type = #tpu.core_type<tc>, window_params = [{pipeline_mode = #tpu.pipeline_mode<synchronous>, transform_indices = @transform_0, window_bounds = array<i64: 4, 2048>}, {pipeline_mode = #tpu.pipeline_mode<synchronous>, transform_indices = @transform_1, window_bounds = array<i64: 4, 10, 2048>}, {transform_indices = @transform_2, window_bounds = array<i64: 4096, 128>}, {transform_indices = @transform_3, window_bounds = array<i64: 1, 128>}, {transform_indices = @transform_4, window_bounds = array<i64: 4096, 128>}, {transform_indices = @transform_5, window_bounds = array<i64: 1, 128>}, {transform_indices = @transform_6, window_bounds = array<i64: 128, 2048>}, {pipeline_mode = #tpu.pipeline_mode<synchronous>, transform_indices = @transform_7, window_bounds = array<i64: 1, 2048>}, {transform_indices = @transform_8, window_bounds = array<i64: 4, 128>}, {pipeline_mode = #tpu.pipeline_mode<synchronous>, transform_indices = @transform_9, window_bounds = array<i64: 4, 2048>}]} {
    %eq3A = arith.constant 0 : i32
    %eq3A_0 = arith.cmpi eq, %arg0, %eq3A : i32
    %convert_element_type3A = arith.extui %eq3A_0 : i1 to i32
    %cond3A = arith.constant 0 : i32
    %cond3A_1 = arith.cmpi ne, %convert_element_type3A, %cond3A : i32
    scf.if %cond3A_1 {
      %get3A_55 = arith.constant 0 : index
      %get3A_56 = arith.constant 0 : index
      %get3A_57 = vector.load %arg1[%get3A_55, %get3A_56] : memref<4x2048xf32, #tpu.memory_space<vmem>>, vector<4x2048xf32>
      %swap3A_58 = arith.constant 0 : index
      %swap3A_59 = arith.constant 0 : index
      %swap3A_60 = vector.load %arg11[%swap3A_58, %swap3A_59] : memref<4x4096xf32, #tpu.memory_space<vmem>>, vector<4x2048xf32>
      tpu.vector_store %arg11[%swap3A_58, %swap3A_59], %get3A_57 {strides = array<i32>} : memref<4x4096xf32, #tpu.memory_space<vmem>>, vector<4x2048xf32>,
      %get3A_61 = arith.constant 0 : index
      %get3A_62 = arith.constant 0 : index
      %get3A_63 = arith.constant 0 : index
      %get3A_64 = vector.load %arg2[%get3A_61, %get3A_62, %get3A_63] : memref<4x10x2048xf32, #tpu.memory_space<vmem>>, vector<4x10x2048xf32>
      %reduce_sum3A = arith.constant dense<0.000000e+00> : vector<4x2048xf32>
      %reduce_sum3A_65 = vector.multi_reduction <add>, %get3A_64, %reduce_sum3A [1] : vector<4x10x2048xf32> to vector<4x2048xf32>
      %div3A = arith.constant 1.000000e+01 : f32
      %div3A_66 = vector.broadcast %div3A : f32 to vector<4x2048xf32>
      %div3A_67 = arith.divf %reduce_sum3A_65, %div3A_66 : vector<4x2048xf32>
      %swap3A_68 = arith.constant 0 : index
      %swap3A_69 = arith.constant 2048 : index
      %swap3A_70 = vector.load %arg11[%swap3A_68, %swap3A_69] : memref<4x4096xf32, #tpu.memory_space<vmem>>, vector<4x2048xf32>
      tpu.vector_store %arg11[%swap3A_68, %swap3A_69], %div3A_67 {strides = array<i32>} : memref<4x4096xf32, #tpu.memory_space<vmem>>, vector<4x2048xf32>,
      %broadcast_in_dim3A = arith.constant 0.000000e+00 : f32
      %broadcast_in_dim3A_71 = vector.broadcast %broadcast_in_dim3A : f32 to vector<4x2048xf32>
      %swap3A_72 = arith.constant 0 : index
      %swap3A_73 = arith.constant 0 : index
      %swap3A_74 = vector.load %arg12[%swap3A_72, %swap3A_73] : memref<4x2048xf32, #tpu.memory_space<vmem>>, vector<4x2048xf32>
      tpu.vector_store %arg12[%swap3A_72, %swap3A_73], %broadcast_in_dim3A_71 {strides = array<i32>} : memref<4x2048xf32, #tpu.memory_space<vmem>>, vector<4x2048xf32>,
    } else {
    }
    %get3A = arith.constant 0 : index
    %get3A_2 = arith.constant 0 : index
    %get3A_3 = vector.load %arg11[%get3A, %get3A_2] : memref<4x4096xf32, #tpu.memory_space<vmem>>, vector<4x4096xf32>
    %get3A_4 = arith.constant 0 : index
    %get3A_5 = arith.constant 0 : index
    %get3A_6 = vector.load %arg3[%get3A_4, %get3A_5] : memref<4096x128xf32, #tpu.memory_space<vmem>>, vector<4096x128xf32>
    %dot_general3A = arith.constant dense<0.000000e+00> : vector<4x128xf32>
    %dot_general3A_7 = tpu.matmul %get3A_3, %get3A_6, %dot_general3A {dimension_numbers = #tpu.dot_dimension_numbers<[1], [0], [0], [1], [0, 0, 1, 1], [], []>, transpose_lhs_hint = false} : vector<4x4096xf32>, vector<4096x128xf32>, vector<4x128xf32> -> vector<4x128xf32>
    %get3A_8 = arith.constant 0 : index
    %get3A_9 = arith.constant 0 : index
    %get3A_10 = vector.load %arg4[%get3A_8, %get3A_9] : memref<1x128xf32, #tpu.memory_space<vmem>>, vector<1x128xf32>
    %add3A = vector.broadcast %get3A_10 : vector<1x128xf32> to vector<4x128xf32>
    %add3A_11 = arith.addf %dot_general3A_7, %add3A : vector<4x128xf32>
    %logistic3A = arith.negf %add3A_11 : vector<4x128xf32>
    %logistic3A_12 = math.exp %logistic3A : vector<4x128xf32>
    %logistic3A_13 = arith.constant 1.000000e+00 : f32
    %logistic3A_14 = vector.broadcast %logistic3A_13 : f32 to vector<4x128xf32>
    %logistic3A_15 = arith.addf %logistic3A_14, %logistic3A_12 : vector<4x128xf32>
    %logistic3A_16 = arith.divf %logistic3A_14, %logistic3A_15 : vector<4x128xf32>
    %swap3A = arith.constant 0 : index
    %swap3A_17 = arith.constant 0 : index
    %swap3A_18 = vector.load %arg9[%swap3A, %swap3A_17] : memref<4x128xf32, #tpu.memory_space<vmem>>, vector<4x128xf32>
    tpu.vector_store %arg9[%swap3A, %swap3A_17], %logistic3A_16 {strides = array<i32>} : memref<4x128xf32, #tpu.memory_space<vmem>>, vector<4x128xf32>,
    %get3A_19 = arith.constant 0 : index
    %get3A_20 = arith.constant 0 : index
    %get3A_21 = vector.load %arg5[%get3A_19, %get3A_20] : memref<4096x128xf32, #tpu.memory_space<vmem>>, vector<4096x128xf32>
    %dot_general3A_22 = arith.constant dense<0.000000e+00> : vector<4x128xf32>
    %dot_general3A_23 = tpu.matmul %get3A_3, %get3A_21, %dot_general3A_22 {dimension_numbers = #tpu.dot_dimension_numbers<[1], [0], [0], [1], [0, 0, 1, 1], [], []>, transpose_lhs_hint = false} : vector<4x4096xf32>, vector<4096x128xf32>, vector<4x128xf32> -> vector<4x128xf32>
    %get3A_24 = arith.constant 0 : index
    %get3A_25 = arith.constant 0 : index
    %get3A_26 = vector.load %arg6[%get3A_24, %get3A_25] : memref<1x128xf32, #tpu.memory_space<vmem>>, vector<1x128xf32>
    %add3A_27 = vector.broadcast %get3A_26 : vector<1x128xf32> to vector<4x128xf32>
    %add3A_28 = arith.addf %dot_general3A_23, %add3A_27 : vector<4x128xf32>
    %mul3A = arith.constant 5.000000e-01 : f32
    %mul3A_29 = vector.broadcast %mul3A : f32 to vector<4x128xf32>
    %mul3A_30 = arith.mulf %add3A_28, %mul3A_29 : vector<4x128xf32>
    %mul3A_31 = arith.constant 0.707106769 : f32
    %mul3A_32 = vector.broadcast %mul3A_31 : f32 to vector<4x128xf32>
    %mul3A_33 = arith.mulf %add3A_28, %mul3A_32 : vector<4x128xf32>
    %erf3A = math.erf %mul3A_33 : vector<4x128xf32>
    %add3A_34 = arith.constant 1.000000e+00 : f32
    %add3A_35 = vector.broadcast %add3A_34 : f32 to vector<4x128xf32>
    %add3A_36 = arith.addf %add3A_35, %erf3A : vector<4x128xf32>
    %mul3A_37 = arith.mulf %mul3A_30, %add3A_36 : vector<4x128xf32>
    %get3A_38 = arith.constant 0 : index
    %get3A_39 = arith.constant 0 : index
    %get3A_40 = vector.load %arg12[%get3A_38, %get3A_39] : memref<4x2048xf32, #tpu.memory_space<vmem>>, vector<4x2048xf32>
    %get3A_41 = arith.constant 0 : index
    %get3A_42 = arith.constant 0 : index
    %get3A_43 = vector.load %arg7[%get3A_41, %get3A_42] : memref<128x2048xf32, #tpu.memory_space<vmem>>, vector<128x2048xf32>
    %dot_general3A_44 = arith.constant dense<0.000000e+00> : vector<4x2048xf32>
    %dot_general3A_45 = tpu.matmul %mul3A_37, %get3A_43, %dot_general3A_44 {dimension_numbers = #tpu.dot_dimension_numbers<[1], [0], [0], [1], [0, 0, 1, 1], [], []>, transpose_lhs_hint = false} : vector<4x128xf32>, vector<128x2048xf32>, vector<4x2048xf32> -> vector<4x2048xf32>
    %add3A_46 = arith.addf %get3A_40, %dot_general3A_45 : vector<4x2048xf32>
    %swap3A_47 = arith.constant 0 : index
    %swap3A_48 = arith.constant 0 : index
    %swap3A_49 = vector.load %arg12[%swap3A_47, %swap3A_48] : memref<4x2048xf32, #tpu.memory_space<vmem>>, vector<4x2048xf32>
    tpu.vector_store %arg12[%swap3A_47, %swap3A_48], %add3A_46 {strides = array<i32>} : memref<4x2048xf32, #tpu.memory_space<vmem>>, vector<4x2048xf32>,
    %eq3A_50 = arith.constant 15 : i32
    %eq3A_51 = arith.cmpi eq, %arg0, %eq3A_50 : i32
    %convert_element_type3A_52 = arith.extui %eq3A_51 : i1 to i32
    %cond3A_53 = arith.constant 0 : i32
    %cond3A_54 = arith.cmpi ne, %convert_element_type3A_52, %cond3A_53 : i32
    scf.if %cond3A_54 {
      %get3A_55 = arith.constant 0 : index
      %get3A_56 = arith.constant 0 : index
      %get3A_57 = vector.load %arg12[%get3A_55, %get3A_56] : memref<4x2048xf32, #tpu.memory_space<vmem>>, vector<4x2048xf32>
      %get3A_58 = arith.constant 0 : index
      %get3A_59 = arith.constant 0 : index
      %get3A_60 = vector.load %arg8[%get3A_58, %get3A_59] : memref<1x2048xf32, #tpu.memory_space<vmem>>, vector<1x2048xf32>
      %add3A_61 = vector.broadcast %get3A_60 : vector<1x2048xf32> to vector<4x2048xf32>
      %add3A_62 = arith.addf %get3A_57, %add3A_61 : vector<4x2048xf32>
      %swap3A_63 = arith.constant 0 : index
      %swap3A_64 = arith.constant 0 : index
      %swap3A_65 = vector.load %arg10[%swap3A_63, %swap3A_64] : memref<4x2048xf32, #tpu.memory_space<vmem>>, vector<4x2048xf32>
      tpu.vector_store %arg10[%swap3A_63, %swap3A_64], %add3A_62 {strides = array<i32>} : memref<4x2048xf32, #tpu.memory_space<vmem>>, vector<4x2048xf32>,
    } else {
    }
    return
  }
  func.func @transform_0(%arg0: i32) -> (i32, i32) {
    %c0_i32 = arith.constant 0 : i32
    %c0_i32_0 = arith.constant 0 : i32
    %c0_i32_1 = arith.constant 0 : i32
    return %c0_i32, %c0_i32_0 : i32, i32
  }
  func.func @transform_1(%arg0: i32) -> (i32, i32, i32) {
    %c0_i32 = arith.constant 0 : i32
    %c0_i32_0 = arith.constant 0 : i32
    %c0_i32_1 = arith.constant 0 : i32
    %c0_i32_2 = arith.constant 0 : i32
    return %c0_i32, %c0_i32_0, %c0_i32_1 : i32, i32, i32
  }
  func.func @transform_2(%arg0: i32) -> (i32, i32) {
    %c0_i32 = arith.constant 0 : i32
    %c0_i32_0 = arith.constant 0 : i32
    return %c0_i32, %arg0 : i32, i32
  }
  func.func @transform_3(%arg0: i32) -> (i32, i32) {
    %c0_i32 = arith.constant 0 : i32
    %c0_i32_0 = arith.constant 0 : i32
    return %c0_i32, %arg0 : i32, i32
  }
  func.func @transform_4(%arg0: i32) -> (i32, i32) {
    %c0_i32 = arith.constant 0 : i32
    %c0_i32_0 = arith.constant 0 : i32
    return %c0_i32, %arg0 : i32, i32
  }
  func.func @transform_5(%arg0: i32) -> (i32, i32) {
    %c0_i32 = arith.constant 0 : i32
    %c0_i32_0 = arith.constant 0 : i32
    return %c0_i32, %arg0 : i32, i32
  }
  func.func @transform_6(%arg0: i32) -> (i32, i32) {
    %c0_i32 = arith.constant 0 : i32
    %c0_i32_0 = arith.constant 0 : i32
    return %arg0, %c0_i32 : i32, i32
  }
  func.func @transform_7(%arg0: i32) -> (i32, i32) {
    %c0_i32 = arith.constant 0 : i32
    %c0_i32_0 = arith.constant 0 : i32
    %c0_i32_1 = arith.constant 0 : i32
    return %c0_i32, %c0_i32_0 : i32, i32
  }
  func.func @transform_8(%arg0: i32) -> (i32, i32) {
    %c0_i32 = arith.constant 0 : i32
    %c0_i32_0 = arith.constant 0 : i32
    return %c0_i32, %arg0 : i32, i32
  }
  func.func @transform_9(%arg0: i32) -> (i32, i32) {
    %c0_i32 = arith.constant 0 : i32
    %c0_i32_0 = arith.constant 0 : i32
    %c0_i32_1 = arith.constant 0 : i32
    return %c0_i32, %c0_i32_0 : i32, i32
  }
}

module attributes {stable_mosaic.version = 14 : i64} {
  func.func @_ln_body(%arg0: i32, %arg1: i32, %arg2: memref<1x256x2048xf32, #tpu.memory_space<vmem>>, %arg3: memref<4x2048xf32, #tpu.memory_space<vmem>>, %arg4: memref<4x2048xf32, #tpu.memory_space<vmem>>, %arg5: memref<1x2048xf32, #tpu.memory_space<vmem>>, %arg6: memref<1x2048xf32, #tpu.memory_space<vmem>>, %arg7: memref<1x256x2048xf32, #tpu.memory_space<vmem>>) attributes {dimension_semantics = [#tpu.dimension_semantics<parallel>, #tpu.dimension_semantics<parallel>], iteration_bounds = array<i64: 4, 8>, scalar_prefetch = 0 : i64, scratch_operands = 0 : i64, tpu.core_type = #tpu.core_type<tc>, window_params = [{transform_indices = @transform_0, window_bounds = array<i64: 1, 256, 2048>}, {pipeline_mode = #tpu.pipeline_mode<synchronous>, transform_indices = @transform_1, window_bounds = array<i64: 4, 2048>}, {pipeline_mode = #tpu.pipeline_mode<synchronous>, transform_indices = @transform_2, window_bounds = array<i64: 4, 2048>}, {pipeline_mode = #tpu.pipeline_mode<synchronous>, transform_indices = @transform_3, window_bounds = array<i64: 1, 2048>}, {pipeline_mode = #tpu.pipeline_mode<synchronous>, transform_indices = @transform_4, window_bounds = array<i64: 1, 2048>}, {transform_indices = @transform_5, window_bounds = array<i64: 1, 256, 2048>}]} {
    %get3A = arith.index_cast %arg0 : i32 to index
    %get3A_0 = arith.constant 0 : index
    %get3A_1 = vector.load %arg3[%get3A, %get3A_0] : memref<4x2048xf32, #tpu.memory_space<vmem>>, vector<1x2048xf32>
    %get3A_2 = arith.index_cast %arg0 : i32 to index
    %get3A_3 = arith.constant 0 : index
    %get3A_4 = vector.load %arg4[%get3A_2, %get3A_3] : memref<4x2048xf32, #tpu.memory_space<vmem>>, vector<1x2048xf32>
    %mul3A = arith.mulf %get3A_1, %get3A_4 : vector<1x2048xf32>
    %get3A_5 = arith.constant 0 : index
    %get3A_6 = arith.constant 0 : index
    %get3A_7 = arith.constant 0 : index
    %get3A_8 = vector.load %arg2[%get3A_5, %get3A_6, %get3A_7] : memref<1x256x2048xf32, #tpu.memory_space<vmem>>, vector<1x256x2048xf32>
    %get3A_9 = vector.shape_cast %get3A_8 : vector<1x256x2048xf32> to vector<256x2048xf32>
    %add3A = vector.broadcast %mul3A : vector<1x2048xf32> to vector<256x2048xf32>
    %add3A_10 = arith.addf %get3A_9, %add3A : vector<256x2048xf32>
    %reduce_sum3A = arith.constant dense<0.000000e+00> : vector<256xf32>
    %reduce_sum3A_11 = vector.multi_reduction <add>, %add3A_10, %reduce_sum3A [1] : vector<256x2048xf32> to vector<256xf32>
    %broadcast_in_dim3A = vector.shape_cast %reduce_sum3A_11 : vector<256xf32> to vector<256x1xf32>
    %div3A = arith.constant 2.048000e+03 : f32
    %div3A_12 = vector.broadcast %div3A : f32 to vector<256x1xf32>
    %div3A_13 = arith.divf %broadcast_in_dim3A, %div3A_12 : vector<256x1xf32>
    %sub3A = vector.broadcast %div3A_13 : vector<256x1xf32> to vector<256x2048xf32>
    %sub3A_14 = arith.subf %add3A_10, %sub3A : vector<256x2048xf32>
    %mul3A_15 = arith.mulf %sub3A_14, %sub3A_14 : vector<256x2048xf32>
    %reduce_sum3A_16 = arith.constant dense<0.000000e+00> : vector<256xf32>
    %reduce_sum3A_17 = vector.multi_reduction <add>, %mul3A_15, %reduce_sum3A_16 [1] : vector<256x2048xf32> to vector<256xf32>
    %broadcast_in_dim3A_18 = vector.shape_cast %reduce_sum3A_17 : vector<256xf32> to vector<256x1xf32>
    %div3A_19 = arith.constant 2.048000e+03 : f32
    %div3A_20 = vector.broadcast %div3A_19 : f32 to vector<256x1xf32>
    %div3A_21 = arith.divf %broadcast_in_dim3A_18, %div3A_20 : vector<256x1xf32>
    %add3A_22 = arith.constant 9.99999974E-6 : f32
    %add3A_23 = vector.broadcast %add3A_22 : f32 to vector<256x1xf32>
    %add3A_24 = arith.addf %div3A_21, %add3A_23 : vector<256x1xf32>
    %rsqrt3A = math.rsqrt %add3A_24 : vector<256x1xf32>
    %mul3A_25 = vector.broadcast %rsqrt3A : vector<256x1xf32> to vector<256x2048xf32>
    %mul3A_26 = arith.mulf %sub3A_14, %mul3A_25 : vector<256x2048xf32>
    %get3A_27 = arith.constant 0 : index
    %get3A_28 = arith.constant 0 : index
    %get3A_29 = vector.load %arg5[%get3A_27, %get3A_28] : memref<1x2048xf32, #tpu.memory_space<vmem>>, vector<1x2048xf32>
    %mul3A_30 = vector.broadcast %get3A_29 : vector<1x2048xf32> to vector<256x2048xf32>
    %mul3A_31 = arith.mulf %mul3A_26, %mul3A_30 : vector<256x2048xf32>
    %get3A_32 = arith.constant 0 : index
    %get3A_33 = arith.constant 0 : index
    %get3A_34 = vector.load %arg6[%get3A_32, %get3A_33] : memref<1x2048xf32, #tpu.memory_space<vmem>>, vector<1x2048xf32>
    %add3A_35 = vector.broadcast %get3A_34 : vector<1x2048xf32> to vector<256x2048xf32>
    %add3A_36 = arith.addf %mul3A_31, %add3A_35 : vector<256x2048xf32>
    %swap3A = arith.constant 0 : index
    %swap3A_37 = arith.constant 0 : index
    %swap3A_38 = arith.constant 0 : index
    %swap3A_39 = vector.load %arg7[%swap3A, %swap3A_37, %swap3A_38] : memref<1x256x2048xf32, #tpu.memory_space<vmem>>, vector<1x256x2048xf32>
    %swap3A_40 = vector.shape_cast %swap3A_39 : vector<1x256x2048xf32> to vector<256x2048xf32>
    %swap3A_41 = vector.shape_cast %add3A_36 : vector<256x2048xf32> to vector<1x256x2048xf32>
    tpu.vector_store %arg7[%swap3A, %swap3A_37, %swap3A_38], %swap3A_41 {strides = array<i32>} : memref<1x256x2048xf32, #tpu.memory_space<vmem>>, vector<1x256x2048xf32>,
    return
  }
  func.func @transform_0(%arg0: i32, %arg1: i32) -> (i32, i32, i32) {
    %c0_i32 = arith.constant 0 : i32
    %c0_i32_0 = arith.constant 0 : i32
    return %arg0, %arg1, %c0_i32 : i32, i32, i32
  }
  func.func @transform_1(%arg0: i32, %arg1: i32) -> (i32, i32) {
    %c0_i32 = arith.constant 0 : i32
    %c0_i32_0 = arith.constant 0 : i32
    %c0_i32_1 = arith.constant 0 : i32
    return %c0_i32, %c0_i32_0 : i32, i32
  }
  func.func @transform_2(%arg0: i32, %arg1: i32) -> (i32, i32) {
    %c0_i32 = arith.constant 0 : i32
    %c0_i32_0 = arith.constant 0 : i32
    %c0_i32_1 = arith.constant 0 : i32
    return %c0_i32, %c0_i32_0 : i32, i32
  }
  func.func @transform_3(%arg0: i32, %arg1: i32) -> (i32, i32) {
    %c0_i32 = arith.constant 0 : i32
    %c0_i32_0 = arith.constant 0 : i32
    %c0_i32_1 = arith.constant 0 : i32
    return %c0_i32, %c0_i32_0 : i32, i32
  }
  func.func @transform_4(%arg0: i32, %arg1: i32) -> (i32, i32) {
    %c0_i32 = arith.constant 0 : i32
    %c0_i32_0 = arith.constant 0 : i32
    %c0_i32_1 = arith.constant 0 : i32
    return %c0_i32, %c0_i32_0 : i32, i32
  }
  func.func @transform_5(%arg0: i32, %arg1: i32) -> (i32, i32, i32) {
    %c0_i32 = arith.constant 0 : i32
    %c0_i32_0 = arith.constant 0 : i32
    return %arg0, %arg1, %c0_i32 : i32, i32, i32
  }
}

</mosaic_0001>

<sc_bundles>
// kernel: kernel.8.cloned.1.call-start
scs
__scs_entry_jumppad:
0x0: {  	(pc) =	sbr.rel $0x88, $3  }
0x1: {  	(tag) =	ssettag $0x0;
	lr =	simm.s32 $0x1  }
0x2: {  	[smem:$0x3F92] =	sst lr;
	_ =	strace $0xD0000000  }
0x3: {  	_ = 	snop  }
0x4: {  	_ = 	snop  }
0x5: {  	_ = 	snop  }
0x6: {  	_ = 	snop  }
0x7: {  	_ = 	snop  }
__scs_overlays_trampoline_lowered:
0x8: {  	[smem:$0x3FA1] =	sst s0  }
0x9: {  	[smem:$0x3FA2] =	sst s1  }
0xa: {  	[smem:$0x3FA3] =	sst s2  }
0xb: {  	[smem:$0x3FA4] =	sst s3  }
0xc: {  	[smem:$0x3FA5] =	sst s4  }
0xd: {  	[smem:$0x3FA6] =	sst s5  }
0xe: {  	[smem:$0x3FA7] =	sst s6  }
0xf: {  	[smem:$0x3FA8] =	sst s7  }
0x10: {  	[smem:$0x3FA9] =	sst s8  }
0x11: {  	[smem:$0x3FAA] =	sst s9;
	s0 =	simm.s32 @!p0 $0x0  }
0x12: {  	s1 =	sld [smem:$0x3F90];
	s0 =	simm.s32 @p0 $0x1  }
0x13: {  	[smem:$0x3FAB] =	sst s0;
	s0 =	simm.s32 @!p1 $0x0  }
0x14: {  	s2 =	sld [smem:$0x3F8F];
	s0 =	simm.s32 @p1 $0x1  }
0x15: {  	[smem:$0x3FAC] =	sst s0;
	s0 =	simm.s32 @!p2 $0x0  }
0x16: {  	s3 =	sld [smem:$0x3FDB];
	s0 =	simm.s32 @p2 $0x1  }
0x17: {  	s4 =	simm.s32 $0x1BF5;
	[smem:$0x3FAE] =	sst s0  }
0x18: {  	s0 =	sld [smem:$0x3F91];
	_ =	swait.ge [sflag:s4], $0x0  }
0x19: {  	s7 =	sld [smem:$0x3F92]  }
0x1a: {  	s8 =	sadd.s32 $0xFFFFE003, lr  }
0x1b: {  	s9 =	sadd.s32 $0xFFFFFEF7, lr;
	s5 =	simm.s32 $0xFFFFFFFF;
	p2 =	slt.u32 s8, $0xFFFFF086  }
0x1c: {  	p1 =	slt.u32 s9, $0xF7A;
	s5 =	simm.s32 @!p2 $0x0  }
0x1d: {  	s5 =	simm.s32 @p1 $0x1;
	p0 =	seq.s32 s7, s2  }
0x1e: {  	s7 =	smul.u32 @!p0 $0xF7A, s2;
	p2 =	seq.s32 @!p0 s5, $0x0  }
0x1f: {  	s9 =	smul.u32 $0xF7A, s1;
	s8 =	simm.s32 @!p0 $0x1BF5;
	p2 =	por !p2, p0  }
0x20: {  	[sflag:s8] =	ssyncset.s32 @!p0 $0xFFFFF086;
	s6 =	sadd.s32 @!p0 s3, s7;
	s7 =	simm.s32 @!p0 $0x108  }
0x21: {  	s3 =	sadd.s32 s3, s9;
	s6 =	sadd.s32 @!p0 $0x88, s6;
	s7 =	simm.s32 @p2 $0x1082  }
0x22: {  	[simem:s7], [sflag:s8] =	dma.local @!p0 [hbm:s6], $0xF7A  }
0x23: {  	s9 =	sor.u32 $0xD0000000, s2;
	s6 =	simm.s32 $0x108;
	_ =	swait.ge @!p0 [sflag:s8], $0x0  }
0x24: {  	s3 =	sadd.s32 $0x88, s3;
	s6 =	simm.s32 @!p1 $0x1082;
	[sflag:s4] =	ssyncset.s32 $0xFFFFF086  }
0x25: {  	[simem:s6], [sflag:s4] =	dma.local [hbm:s3], $0xF7A  }
0x26: {  	[smem:$0x3F92] =	sst s1;
	(tag) =	ssettag s2;
	_ =	strace s9  }
0x27: {  	s1 =	sld [smem:$0x3FA2]  }
0x28: {  	s2 =	sld [smem:$0x3FA3]  }
0x29: {  	s4 =	sld [smem:$0x3FA5]  }
0x2a: {  	p0 =	seq.s32 s5, $0x0;
	s5 =	sld [smem:$0x3FA6]  }
0x2b: {  	s6 =	sld [smem:$0x3FA7]  }
0x2c: {  	s7 =	sld [smem:$0x3FA8]  }
0x2d: {  	s3 =	simm.s32 $0x108;
	s8 =	sld [smem:$0x3FA9]  }
0x2e: {  	s3 =	simm.s32 @!p0 $0x1082;
	s9 =	sld [smem:$0x3FAA]  }
0x2f: {  	lr =	sadd.s32 s0, s3;
	s0 =	sld [smem:$0x3FA1]  }
0x30: {  	s3 =	sld [smem:$0x3FA4]  }
0x31: {  	[smem:$0x3FAD] =	sst s10  }
0x32: {  	s10 =	sld [smem:$0x3FAB];
	_ =	sdelay $0x3  }
0x33: {  	p0 =	seq.s32 s10, $0x1;
	s10 =	sld [smem:$0x3FAD];
	_ =	sdelay $0x3  }
0x34: {  	[smem:$0x3FAD] =	sst s10  }
0x35: {  	s10 =	sld [smem:$0x3FAC];
	_ =	sdelay $0x3  }
0x36: {  	p1 =	seq.s32 s10, $0x1;
	s10 =	sld [smem:$0x3FAD];
	_ =	sdelay $0x3  }
0x37: {  	[smem:$0x3FAD] =	sst s10  }
0x38: {  	s10 =	sld [smem:$0x3FAE]  }
0x39: {  	_ = 	snop;
	(pc) =	sbr.ind lr, $3  }
0x3a: {  	_ = 	snop  }
0x3b: {  	_ = 	snop  }
0x3c: {  	p2 =	seq.s32 s10, $0x1;
	s10 =	sld [smem:$0x3FAD]  }
0x3d: {  	_ =	shalt  }
0x3e: {  	_ =	shalt  }
0x3f: {  	_ =	shalt  }
0x40: {  	_ =	shalt  }
0x41: {  	_ =	shalt  }
0x42: {  	_ =	shalt  }
0x43: {  	_ =	shalt  }
0x44: {  	_ =	shalt  }
0x45: {  	_ =	shalt  }
0x46: {  	_ =	shalt  }
0x47: {  	_ =	shalt  }
0x48: {  	_ =	shalt  }
0x49: {  	_ =	shalt  }
0x4a: {  	_ =	shalt  }
0x4b: {  	_ =	shalt  }
0x4c: {  	_ =	shalt  }
0x4d: {  	_ =	shalt  }
0x4e: {  	_ =	shalt  }
0x4f: {  	_ =	shalt  }
0x50: {  	_ =	shalt  }
0x51: {  	_ =	shalt  }
0x52: {  	_ =	shalt  }
0x53: {  	_ =	shalt  }
0x54: {  	_ =	shalt  }
0x55: {  	_ =	shalt  }
0x56: {  	_ =	shalt  }
0x57: {  	_ =	shalt  }
0x58: {  	_ =	shalt  }
0x59: {  	_ =	shalt  }
0x5a: {  	_ =	shalt  }
0x5b: {  	_ =	shalt  }
0x5c: {  	_ =	shalt  }
0x5d: {  	_ =	shalt  }
0x5e: {  	_ =	shalt  }
0x5f: {  	_ =	shalt  }
0x60: {  	_ =	shalt  }
0x61: {  	_ =	shalt  }
0x62: {  	_ =	shalt  }
0x63: {  	_ =	shalt  }
0x64: {  	_ =	shalt  }
0x65: {  	_ =	shalt  }
0x66: {  	_ =	shalt  }
0x67: {  	_ =	shalt  }
0x68: {  	_ =	shalt  }
0x69: {  	_ =	shalt  }
0x6a: {  	_ =	shalt  }
0x6b: {  	_ =	shalt  }
0x6c: {  	_ =	shalt  }
0x6d: {  	_ =	shalt  }
0x6e: {  	_ =	shalt  }
0x6f: {  	_ =	shalt  }
0x70: {  	_ =	shalt  }
0x71: {  	_ =	shalt  }
0x72: {  	_ =	shalt  }
0x73: {  	_ =	shalt  }
0x74: {  	_ =	shalt  }
0x75: {  	_ =	shalt  }
0x76: {  	_ =	shalt  }
0x77: {  	_ =	shalt  }
0x78: {  	_ =	shalt  }
0x79: {  	_ =	shalt  }
0x7a: {  	_ =	shalt  }
0x7b: {  	_ =	shalt  }
0x7c: {  	_ =	shalt  }
0x7d: {  	_ =	shalt  }
0x7e: {  	_ =	shalt  }
0x7f: {  	_ =	shalt  }
0x80: {  	_ =	shalt  }
0x81: {  	_ =	shalt  }
0x82: {  	_ =	shalt  }
0x83: {  	_ =	shalt  }
0x84: {  	_ =	shalt  }
0x85: {  	_ =	shalt  }
0x86: {  	_ =	shalt  }
0x87: {  	_ =	shalt  }
.Lfunc_end0:
.L_simem_size_0:
called_computation_lowered:
.L_overlay_start_0:
0x88: {  	s2 =	sld [smem:$0x3FD9]  }
0x89: {  	s3 =	sld [smem:$0x3FFE];
	_ =	sdelay $0x1  }
0x8a: {  	s1 =	srdreg.scid  }
0x8b: {  	s0 =	sand.u32 $0x1, s1  }
0x8c: {  	s17 =	sshll.u32 s0, $0xA;
	s2 =	sadd.s32 s3, s2  }
0x8d: {  	s2 =	sadd.s32 s2, s17  }
0x8e: {  	[smem:$0x3FB9] =	sst s2  }
0x8f: {  	_ = 	snop  }
0x90: {  	s2 =	sld [smem:$0x3FC8]  }
0x91: {  	s18 =	sld [smem:$0x3FD0];
	(tm) =	ssettm $0x1  }
0x92: {  	s4 =	sld [smem:$0x3FFB];
	_ =	sdelay $0x3  }
0x93: {  	_ =	strace s4  }
0x94: {  	s4 =	sld [smem:$0x3FFC];
	_ =	sdelay $0x3  }
0x95: {  	_ =	strace s4  }
0x96: {  	s4 =	sld [smem:$0x3FFD];
	_ =	sdelay $0x3  }
0x97: {  	_ =	strace s4  }
0x98: {  	_ =	strace $0x8FFFFFFF  }
0x99: {  	s19 =	sld [smem:$0x3FDB];
	_ =	sdelay $0x1  }
0x9a: {  	s5 =	simm.s32 $_scs_section_size  }
0x9b: {  	s6 =	simm.s32 $_size__tile_overlayer_lowered;
	s7 =	simm.s32 $_tile_overlayer_lowered  }
0x9c: {  	s22 =	simm.s32 $0x1BFF;
	s21 =	sshll.u32 s7, $0x1;
	s4 =	sadd.s32 s5, s19  }
0x9d: {  	s8 =	simm.s32 $0x0;
	s20 =	sshll.u32 s6, $0x1;
	s6 =	sadd.s32 s21, s4  }
0x9e: {  	[timem:s8], [sflag:s22] =	dma.local [hbm:s6], s20  }
0x9f: {  	_ =	swait.ge [sflag:s22], s20  }
0xa0: {  	s5 =	ssub.s32 $0x0, s20;
	[sflag:s22] =	ssyncset.done $0x0  }
0xa1: {  	[sflag:s22] =	ssyncadd.s32 s5;
	_ =	sdelay $0x1  }
0xa2: {  	s23 =	simm.s32 $0x1B8B  }
0xa3: {  	_ =	swait.ge [sflag:s23], $0x1  }
0xa4: {  	[sflag:s23] =	ssyncset.done $0x0  }
0xa5: {  	s25 =	simm.s32 $0x1B8E;
	s24 =	sld [smem:$0x3FFE];
	[sflag:s23] =	ssyncadd.s32 $0xFFFFFFFF  }
0xa6: {  	s26 =	simm.s32 $execute0_lowered;
	[smem:$0x3FD2] =	sst s25  }
0xa7: {  	s6 =	sshll.u32 s26, $0x1;
	_ =	strace $0x80000046;
	[dreg:$0x1] =	wrdreg $0xFFFFFFFF  }
0xa8: {  	s28 =	simm.s32 $_size_execute0_lowered;
	s4 =	sadd.s32 s4, s6;
	[dreg:$0x0] =	wrdreg $0x0  }
0xa9: {  	s6 =	sshll.u32 s28, $0x1;
	[dreg:$0x2] =	wrdreg s4  }
0xaa: {  	[dreg:$0x3] =	wrdreg s6  }
0xab: {  	[dreg:$0x4] =	wrdreg $0xC0  }
0xac: {  	_ =	task [dreg:s8], $0x5FFFF  }
0xad: {  	[dreg:$0x1] =	wrdreg $0xFFFFFFFF  }
0xae: {  	[dreg:$0x0] =	wrdreg $0x60  }
0xaf: {  	[dreg:$0x2] =	wrdreg s2  }
0xb0: {  	[dreg:$0x3] =	wrdreg s24  }
0xb1: {  	[dreg:$0x4] =	wrdreg s18  }
0xb2: {  	[dreg:$0x5] =	wrdreg $0x9  }
0xb3: {  	_ =	task.clear_ibuf [dreg:s8], $0x6FFFF;
	_ =	strace $0x90000046  }
0xb4: {  	s29 =	simm.s32 $0x9;
	_ =	strace $0x80000048  }
0xb5: {  	_ =	swait.ge [sflag:s29], $0x1  }
0xb6: {  	[sflag:s29] =	ssyncadd.s32 $0xFFFFFFFF  }
0xb7: {  	_ =	strace $0x90000048  }
0xb8: {  	_ =	sfence  }
0xb9: {  	s30 =	sld [smem:$0x0];
	_ =	sdelay $0x2  }
0xba: {  	s31 =	sshll.u32 s1, $0xD;
	s1 =	sshrl.u32 s1, $0x2  }
0xbb: {  	s3 =	sand.u32 $0x4000, s31;
	s1 =	sadd.s32 s1, s30  }
0xbc: {  	s0 =	sor.u32 s3, s0;
	s1 =	sshll.u32 s1, $0x11  }
0xbd: {  	s0 =	sor.u32 s1, s0  }
0xbe: {  	s0 =	sadd.s32 $0x8F2B, s0  }
0xbf: {  	[sflag:s0] =	ssyncadd.remote.s32 $0x1  }
0xc0: {  	_ =	sfence.sel $0xFFFF  }
0xc1: {  	[dreg:$0x0] =	wrdreg $0xFFFFFFFF;
	(pc) =	sbr.abs _section_cstart, $3  }
0xc2: {  	[dreg:$0x1] =	wrdreg $0xFFFFFFFF  }
0xc3: {  	_ =	task.clear_ibuf [dreg:s8], $0x2FFFF;
	_ =	strace $0x9FFFFFFF  }
0xc4: {  	(tm) =	ssettm $0x7FFFFFFF  }
0xc5: {  	_ =	shalt  }
tec
execute0_lowered:
.L_overlay_start_1:
0x0: {  	(tag) =	ssettag $0x1  }
0x1: {  	s1 =	srdreg.scid  }
0x2: {  	s30 =	stileid.u32;
	s2 =	sand.u32 $0x1, s1  }
0x3: {  	s31 =	sor.u32 s30, s2  }
0x4: {  	p0 =	sne.s32 s31, $0x0  }
.Ltmp0:
0x5: {  	_ = 	snop;
	(pc) =	sbr.rel @p0 .LBB2_3-.Ltmp0, $4  }
0x6: {  	s0 =	rddreg [dreg:$0x0]  }
0x7: {  	s4 =	rddreg [dreg:$0x2]  }
0x8: {  	[dreg:$0x5] =	wrdreg s4  }
0x9: {  	s3 =	rddreg [dreg:$0x1];
	_ =	strace $0x80000047  }
0xa: {  	s3 =	sadd.s32 $0x2400, s3  }
0xb: {  	s6 =	simm.s32 $0x880;
	[dreg:$0x4] =	wrdreg s3  }
0xc: {  	s7 =	simm.s32 $0x1080;
	[dreg:$0x6] =	wrdreg s6  }
0xd: {  	s8 =	simm.s32 $0x1880;
	[dreg:$0x7] =	wrdreg s7  }
0xe: {  	s9 =	simm.s32 $0x2080;
	[dreg:$0x8] =	wrdreg s8  }
0xf: {  	s10 =	simm.s32 $0x2880;
	[dreg:$0x9] =	wrdreg s9  }
0x10: {  	s11 =	simm.s32 $0x3080;
	[dreg:$0xa] =	wrdreg s10  }
0x11: {  	s12 =	simm.s32 $0x3880;
	[dreg:$0xb] =	wrdreg s11  }
0x12: {  	s13 =	simm.s32 $0x4080;
	[dreg:$0xc] =	wrdreg s12  }
0x13: {  	s14 =	simm.s32 $0x4880;
	[dreg:$0xd] =	wrdreg s13  }
0x14: {  	s15 =	simm.s32 $0x5080;
	s16 =	simm.s32 $0x5880;
	[dreg:$0xe] =	wrdreg s14  }
0x15: {  	s2 =	ssub.s32 $0x2, s2;
	s17 =	simm.s32 $0x6080;
	[dreg:$0xf] =	wrdreg s15  }
0x16: {  	s5 =	simm.s32 $0x6880;
	s18 =	simm.s32 $0x7080;
	[dreg:$0x10] =	wrdreg s16  }
0x17: {  	s19 =	simm.s32 $0x7880;
	s20 =	simm.s32 $0x8080;
	[dreg:$0x11] =	wrdreg s17  }
0x18: {  	s21 =	simm.s32 $0x8880;
	s22 =	simm.s32 $0x9080;
	[dreg:$0x12] =	wrdreg s5  }
0x19: {  	s23 =	simm.s32 $0x9880;
	s24 =	simm.s32 $0xA080;
	[dreg:$0x13] =	wrdreg s18  }
0x1a: {  	s25 =	simm.s32 $0xA880;
	s26 =	simm.s32 $0xB080;
	[dreg:$0x14] =	wrdreg s19  }
0x1b: {  	s28 =	simm.s32 $0x12080;
	s29 =	simm.s32 $0x12880;
	[dreg:$0x15] =	wrdreg s20  }
0x1c: {  	s30 =	simm.s32 $0x13080;
	s31 =	simm.s32 $0x13880;
	[dreg:$0x16] =	wrdreg s21  }
0x1d: {  	s4 =	sshrl.u32 s2, $0x1;
	s5 =	sadd.s32 $0x200, s0;
	[dreg:$0x17] =	wrdreg s22  }
0x1e: {  	s6 =	sadd.s32 $0x300, s0;
	s7 =	sadd.s32 $0x400, s0;
	[dreg:$0x18] =	wrdreg s23  }
0x1f: {  	s8 =	sadd.s32 $0x500, s0;
	s9 =	sadd.s32 $0x600, s0;
	[dreg:$0x19] =	wrdreg s24  }
0x20: {  	s10 =	sadd.s32 $0x700, s0;
	s11 =	simm.s32 $0x0;
	[dreg:$0x1a] =	wrdreg s25  }
0x21: {  	s12 =	simm.s32 $0x2;
	s13 =	simm.s32 $0x80;
	[dreg:$0x1b] =	wrdreg s26  }
0x22: {  	s15 =	simm.s32 $0xC080;
	s16 =	simm.s32 $0xC880;
	s17 =	simm.s32 $0xD080  }
0x23: {  	s18 =	simm.s32 $0xD880;
	s19 =	simm.s32 $0xE080;
	s20 =	simm.s32 $0xE880  }
0x24: {  	v2 =	vlaneseq.u32;
	s21 =	simm.s32 $0xF080;
	s22 =	simm.s32 $0xF880;
	s23 =	simm.s32 $0x10080  }
0x25: {  	vm0 =	vmmov $0xffff;
	s24 =	simm.s32 $0x10880;
	s25 =	simm.s32 $0x11080;
	v1 =	vshrl.u32 v2, $0x3;
	s26 =	simm.s32 $0x11880  }
0x26: {  	v0 =	vand.u32 $0x7, v2;
	v2 =	vor.u32 $0x8, v2;
	s3 =	ssub.s32 s2, s4;
	s4 =	sadd.s32 $0x100, s0;
	v1 =	vmul.u32 $0x8, v1;
	s2 =	simm.s32 $0x1  }
.LBB2_2:
0x27: {  	s1 =	rddreg [dreg:$0x4]  }
0x28: {  	[tilespmem:s11], [sflag:$0x2] =	stream.linear.gather [hbm4b:s1+s11], $0x80, $0x38;
	[tilespmem:$0x14080] =	vst v63  }
0x29: {  	_ =	swait.ge [sflag:s12], $0x80  }
0x2a: {  	[sflag:s12] =	ssyncset.done $0x0  }
0x2b: {  	[sflag:s12] =	ssyncadd.s32 $0xFFFFFF80  }
0x2c: {  	v3 =	vld [tilespmem:$0x0];
	_ =	sdelay $0x4  }
0x2d: {  	v4 =	vshll.u32 v3, $0x4  }
0x2e: {  	v3 =	vand.u32 $0x7, v3;
	v4 =	vand.u32 $0xFFFFFF80, v4  }
0x2f: {  	v3 =	vor.u32 v3, v4  }
0x30: {  	v4 =	vperm.xlane v3, v0;
	_ =	sdelay $0x1  }
0x31: {  	v4 =	vadd.s32 v1, v4;
	_ =	sdelay $0x4  }
0x32: {  	[tilespmem:s13], [sflag:$0x1] =	stream.indirect_vreg.gather [hbm4b:s0+s11], $0x80, v4, vm0, $0xb8;
	[tilespmem:$0x14080] =	vst v63  }
0x33: {  	s1 =	rddreg [dreg:$0x6]  }
0x34: {  	[tilespmem:s1], [sflag:$0x1] =	stream.indirect_vreg.gather [hbm4b:s4+s11], $0x80, v4, vm0, $0xb8;
	[tilespmem:$0x14080] =	vst v63  }
0x35: {  	s14 =	rddreg [dreg:$0x7]  }
0x36: {  	[tilespmem:s14], [sflag:$0x1] =	stream.indirect_vreg.gather [hbm4b:s5+s11], $0x80, v4, vm0, $0xb8;
	[tilespmem:$0x14080] =	vst v63  }
0x37: {  	s1 =	rddreg [dreg:$0x8]  }
0x38: {  	[tilespmem:s1], [sflag:$0x1] =	stream.indirect_vreg.gather [hbm4b:s6+s11], $0x80, v4, vm0, $0xb8;
	[tilespmem:$0x14080] =	vst v63  }
0x39: {  	s14 =	rddreg [dreg:$0x9]  }
0x3a: {  	[tilespmem:s14], [sflag:$0x1] =	stream.indirect_vreg.gather [hbm4b:s7+s11], $0x80, v4, vm0, $0xb8;
	[tilespmem:$0x14080] =	vst v63  }
0x3b: {  	v3 =	vperm.xlane v3, v2;
	s1 =	rddreg [dreg:$0xa]  }
0x3c: {  	[tilespmem:s1], [sflag:$0x1] =	stream.indirect_vreg.gather [hbm4b:s8+s11], $0x80, v4, vm0, $0xb8;
	[tilespmem:$0x14080] =	vst v63  }
0x3d: {  	v3 =	vadd.s32 v1, v3;
	s14 =	rddreg [dreg:$0xb]  }
0x3e: {  	[tilespmem:s14], [sflag:$0x1] =	stream.indirect_vreg.gather [hbm4b:s9+s11], $0x80, v4, vm0, $0xb8;
	[tilespmem:$0x14080] =	vst v63  }
0x3f: {  	s1 =	rddreg [dreg:$0xc]  }
0x40: {  	[tilespmem:s1], [sflag:$0x1] =	stream.indirect_vreg.gather [hbm4b:s10+s11], $0x80, v4, vm0, $0xb8;
	[tilespmem:$0x14080] =	vst v63  }
0x41: {  	s14 =	rddreg [dreg:$0xd]  }
0x42: {  	[tilespmem:s14], [sflag:$0x1] =	stream.indirect_vreg.gather [hbm4b:s0+s11], $0x80, v3, vm0, $0xb8;
	[tilespmem:$0x14080] =	vst v63  }
0x43: {  	s1 =	rddreg [dreg:$0xe]  }
0x44: {  	[tilespmem:s1], [sflag:$0x1] =	stream.indirect_vreg.gather [hbm4b:s4+s11], $0x80, v3, vm0, $0xb8;
	[tilespmem:$0x14080] =	vst v63  }
0x45: {  	s14 =	rddreg [dreg:$0xf]  }
0x46: {  	[tilespmem:s14], [sflag:$0x1] =	stream.indirect_vreg.gather [hbm4b:s5+s11], $0x80, v3, vm0, $0xb8;
	[tilespmem:$0x14080] =	vst v63  }
0x47: {  	s1 =	rddreg [dreg:$0x10]  }
0x48: {  	[tilespmem:s1], [sflag:$0x1] =	stream.indirect_vreg.gather [hbm4b:s6+s11], $0x80, v3, vm0, $0xb8;
	[tilespmem:$0x14080] =	vst v63  }
0x49: {  	s14 =	rddreg [dreg:$0x11]  }
0x4a: {  	[tilespmem:s14], [sflag:$0x1] =	stream.indirect_vreg.gather [hbm4b:s7+s11], $0x80, v3, vm0, $0xb8;
	[tilespmem:$0x14080] =	vst v63  }
0x4b: {  	s1 =	rddreg [dreg:$0x12]  }
0x4c: {  	[tilespmem:s1], [sflag:$0x1] =	stream.indirect_vreg.gather [hbm4b:s8+s11], $0x80, v3, vm0, $0xb8;
	[tilespmem:$0x14080] =	vst v63  }
0x4d: {  	s14 =	rddreg [dreg:$0x13]  }
0x4e: {  	[tilespmem:s14], [sflag:$0x1] =	stream.indirect_vreg.gather [hbm4b:s9+s11], $0x80, v3, vm0, $0xb8;
	[tilespmem:$0x14080] =	vst v63  }
0x4f: {  	s1 =	rddreg [dreg:$0x14]  }
0x50: {  	[tilespmem:s1], [sflag:$0x1] =	stream.indirect_vreg.gather [hbm4b:s10+s11], $0x80, v3, vm0, $0xb8;
	[tilespmem:$0x14080] =	vst v63  }
0x51: {  	v3 =	vld [tilespmem:$0x10];
	_ =	sdelay $0x4  }
0x52: {  	v62 =	vshll.u32 v3, $0x4  }
0x53: {  	v3 =	vand.u32 $0x7, v3;
	v4 =	vand.u32 $0xFFFFFF80, v62  }
0x54: {  	v3 =	vor.u32 v3, v4  }
0x55: {  	v4 =	vperm.xlane v3, v0;
	_ =	sdelay $0x1  }
0x56: {  	v4 =	vadd.s32 v1, v4;
	_ =	sdelay $0x3  }
0x57: {  	s1 =	rddreg [dreg:$0x15]  }
0x58: {  	[tilespmem:s1], [sflag:$0x1] =	stream.indirect_vreg.gather [hbm4b:s0+s11], $0x80, v4, vm0, $0xb8;
	[tilespmem:$0x14080] =	vst v63  }
0x59: {  	s14 =	rddreg [dreg:$0x16]  }
0x5a: {  	[tilespmem:s14], [sflag:$0x1] =	stream.indirect_vreg.gather [hbm4b:s4+s11], $0x80, v4, vm0, $0xb8;
	[tilespmem:$0x14080] =	vst v63  }
0x5b: {  	s1 =	rddreg [dreg:$0x17]  }
0x5c: {  	[tilespmem:s1], [sflag:$0x1] =	stream.indirect_vreg.gather [hbm4b:s5+s11], $0x80, v4, vm0, $0xb8;
	[tilespmem:$0x14080] =	vst v63  }
0x5d: {  	s14 =	rddreg [dreg:$0x18]  }
0x5e: {  	[tilespmem:s14], [sflag:$0x1] =	stream.indirect_vreg.gather [hbm4b:s6+s11], $0x80, v4, vm0, $0xb8;
	[tilespmem:$0x14080] =	vst v63  }
0x5f: {  	s1 =	rddreg [dreg:$0x19]  }
0x60: {  	[tilespmem:s1], [sflag:$0x1] =	stream.indirect_vreg.gather [hbm4b:s7+s11], $0x80, v4, vm0, $0xb8;
	[tilespmem:$0x14080] =	vst v63  }
0x61: {  	v3 =	vperm.xlane v3, v2;
	s14 =	rddreg [dreg:$0x1a]  }
0x62: {  	[tilespmem:s14], [sflag:$0x1] =	stream.indirect_vreg.gather [hbm4b:s8+s11], $0x80, v4, vm0, $0xb8;
	[tilespmem:$0x14080] =	vst v63  }
0x63: {  	v3 =	vadd.s32 v1, v3;
	s1 =	rddreg [dreg:$0x1b]  }
0x64: {  	[tilespmem:s1], [sflag:$0x1] =	stream.indirect_vreg.gather [hbm4b:s9+s11], $0x80, v4, vm0, $0xb8;
	[tilespmem:$0x14080] =	vst v63  }
0x65: {  	s14 =	simm.s32 $0xB880  }
0x66: {  	[tilespmem:s14], [sflag:$0x1] =	stream.indirect_vreg.gather [hbm4b:s10+s11], $0x80, v4, vm0, $0xb8;
	[tilespmem:$0x14080] =	vst v63  }
0x67: {  	_ = 	snop  }
0x68: {  	[tilespmem:s15], [sflag:$0x1] =	stream.indirect_vreg.gather [hbm4b:s0+s11], $0x80, v3, vm0, $0xb8;
	[tilespmem:$0x14080] =	vst v63  }
0x69: {  	_ = 	snop  }
0x6a: {  	[tilespmem:s16], [sflag:$0x1] =	stream.indirect_vreg.gather [hbm4b:s4+s11], $0x80, v3, vm0, $0xb8;
	[tilespmem:$0x14080] =	vst v63  }
0x6b: {  	_ = 	snop  }
0x6c: {  	[tilespmem:s17], [sflag:$0x1] =	stream.indirect_vreg.gather [hbm4b:s5+s11], $0x80, v3, vm0, $0xb8;
	[tilespmem:$0x14080] =	vst v63  }
0x6d: {  	_ = 	snop  }
0x6e: {  	[tilespmem:s18], [sflag:$0x1] =	stream.indirect_vreg.gather [hbm4b:s6+s11], $0x80, v3, vm0, $0xb8;
	[tilespmem:$0x14080] =	vst v63  }
0x6f: {  	_ = 	snop  }
0x70: {  	[tilespmem:s19], [sflag:$0x1] =	stream.indirect_vreg.gather [hbm4b:s7+s11], $0x80, v3, vm0, $0xb8;
	[tilespmem:$0x14080] =	vst v63  }
0x71: {  	_ = 	snop  }
0x72: {  	[tilespmem:s20], [sflag:$0x1] =	stream.indirect_vreg.gather [hbm4b:s8+s11], $0x80, v3, vm0, $0xb8;
	[tilespmem:$0x14080] =	vst v63  }
0x73: {  	_ = 	snop  }
0x74: {  	[tilespmem:s21], [sflag:$0x1] =	stream.indirect_vreg.gather [hbm4b:s9+s11], $0x80, v3, vm0, $0xb8;
	[tilespmem:$0x14080] =	vst v63  }
0x75: {  	_ = 	snop  }
0x76: {  	[tilespmem:s22], [sflag:$0x1] =	stream.indirect_vreg.gather [hbm4b:s10+s11], $0x80, v3, vm0, $0xb8;
	[tilespmem:$0x14080] =	vst v63  }
0x77: {  	v3 =	vld.msk [tilespmem:$0x20], $0xff;
	_ =	sdelay $0x4  }
0x78: {  	v63 =	vshll.u32 v3, $0x4  }
0x79: {  	v3 =	vand.u32 $0x7, v3;
	v4 =	vand.u32 $0xFFFFFF80, v63  }
0x7a: {  	v3 =	vor.u32 v3, v4  }
0x7b: {  	v3 =	vperm.xlane v3, v0;
	_ =	sdelay $0x1  }
0x7c: {  	v3 =	vadd.s32 v1, v3;
	_ =	sdelay $0x4  }
0x7d: {  	[tilespmem:s23], [sflag:$0x1] =	stream.indirect_vreg.gather [hbm4b:s0+s11], $0x80, v3, vm0, $0xb8;
	[tilespmem:$0x14080] =	vst v63  }
0x7e: {  	_ = 	snop  }
0x7f: {  	[tilespmem:s24], [sflag:$0x1] =	stream.indirect_vreg.gather [hbm4b:s4+s11], $0x80, v3, vm0, $0xb8;
	[tilespmem:$0x14080] =	vst v63  }
0x80: {  	_ = 	snop  }
0x81: {  	[tilespmem:s25], [sflag:$0x1] =	stream.indirect_vreg.gather [hbm4b:s5+s11], $0x80, v3, vm0, $0xb8;
	[tilespmem:$0x14080] =	vst v63  }
0x82: {  	_ = 	snop  }
0x83: {  	[tilespmem:s26], [sflag:$0x1] =	stream.indirect_vreg.gather [hbm4b:s6+s11], $0x80, v3, vm0, $0xb8;
	[tilespmem:$0x14080] =	vst v63  }
0x84: {  	_ = 	snop  }
0x85: {  	[tilespmem:s28], [sflag:$0x1] =	stream.indirect_vreg.gather [hbm4b:s7+s11], $0x80, v3, vm0, $0xb8;
	[tilespmem:$0x14080] =	vst v63  }
0x86: {  	_ = 	snop  }
0x87: {  	[tilespmem:s29], [sflag:$0x1] =	stream.indirect_vreg.gather [hbm4b:s8+s11], $0x80, v3, vm0, $0xb8;
	[tilespmem:$0x14080] =	vst v63  }
0x88: {  	_ = 	snop  }
0x89: {  	[tilespmem:s30], [sflag:$0x1] =	stream.indirect_vreg.gather [hbm4b:s9+s11], $0x80, v3, vm0, $0xb8;
	[tilespmem:$0x14080] =	vst v63  }
0x8a: {  	_ = 	snop  }
0x8b: {  	[tilespmem:s31], [sflag:$0x1] =	stream.indirect_vreg.gather [hbm4b:s10+s11], $0x80, v3, vm0, $0xb8;
	[tilespmem:$0x14080] =	vst v63  }
0x8c: {  	_ =	swait.ge [sflag:s2], $0x14000  }
0x8d: {  	p0 =	sne.s32 s3, $0x1;
	[sflag:s2] =	ssyncset.done $0x0  }
.Ltmp1:
0x8e: {  	s14 =	rddreg [dreg:$0x5];
	[sflag:s2] =	ssyncadd.s32 $0xFFFEC000;
	(pc) =	sbr.rel @p0 .LBB2_2-.Ltmp1, $4  }
0x8f: {  	[hbm4b:s14+s11] =	stream.linear.scatter [tilespmem:s13], [sflag:$0x2], $0x14000, $0x38;
	[tilespmem:$0x14080] =	vst v63  }
0x90: {  	_ =	swait.ge [sflag:s12], $0x14000  }
0x91: {  	[sflag:s12] =	ssyncset.done $0x0  }
0x92: {  	s3 =	sadd.s32 $0xFFFFFFFF, s3;
	[sflag:s12] =	ssyncadd.s32 $0xFFFEC000  }
.LBB2_3:
0x93: {  	_ =	sfence.sel $0x180000  }
0x94: {  	[bflag:$0x0] =	sbarrier.arrive $0xFFFF  }
0x95: {  	_ =	strace $0x90000047  }
0x96: {  	s0 =	stileid.u32;
	[bflag:$0x2] =	sbarrier.arrive $0xFFFF  }
0x97: {  	p0 =	sne.s32 s0, $0x0;
	s0 =	rddreg [dreg:$0x3]  }
0x98: {  	s0 =	sadd.s32 @!p0 $0x100000, s0  }
0x99: {  	[sflag:s0] =	ssyncadd.tile.s32 @!p0 $0x1;
	_ =	shalt  }
.Lfunc_end2:
_tile_overlayer_lowered:
.L_overlay_start_2:
0x9a: {  	(tag) =	ssettag $0x2  }
0x9b: {  	s0 =	rddreg [dreg:$0x0];
	s2 =	stileid.u32  }
0x9c: {  	s1 =	rddreg [dreg:$0x1];
	p0 =	sne.s32 s2, $0x0  }
0x9d: {  	s3 =	rddreg [dreg:$0x2];
	[bflag:$0x3] =	sbarrier.arrive $0xFFFF;
	s2 =	simm.s32 @!p0 $0x1C02  }
0x9e: {  	[timem:s3], [sflag:s2] =	dma.local @!p0 [hbm:s0], s1  }
0x9f: {  	s0 =	simm.s32 @!p0 $0x2  }
0xa0: {  	_ =	swait.ge @!p0 [sflag:s0], s1  }
0xa1: {  	s1 =	ssub.s32 @!p0 $0x0, s1;
	[sflag:s0] =	ssyncset.done @!p0 $0x0  }
0xa2: {  	[sflag:s0] =	ssyncadd.s32 @!p0 s1  }
0xa3: {  	[bflag:$0x3] =	sbarrier.arrive $0xFFFF  }
0xa4: {  	_ =	shalt  }

</sc_bundles>
